<compile_context>
chip_gen: v7x
topology: tpu7x:2x2x1
jax: 0.10.2.dev20260603
libtpu: 0.0.44.dev20260713+nightly
codegen_flags: <defaults>
</compile_context>

<pallas_src>
import functools

import jax
import jax.numpy as jnp
from jax import lax
from jax.experimental import pallas as pl
from jax.experimental.pallas import tpu as pltpu
from jax.experimental.pallas import tpu_sc as plsc

N = 10000
E = 320000
G = 128
F0 = 136
D1 = 128
D2 = 128

NC, NS, L = 2, 16, 16
NW = NC * NS
K = 128
C = 79
E_PAD = NW * K * C
N_ACC = 10112
RPT = N_ACC // NS


def _make_sc_scatter(D):
    mesh = plsc.VectorSubcoreMesh(core_axis_name="c", subcore_axis_name="s")

    @functools.partial(
        pl.kernel,
        out_type=jax.ShapeDtypeStruct((NC, N_ACC, D), jnp.float32),
        mesh=mesh,
        scratch_types=[
            pltpu.VMEM((K,), jnp.int32),
            pltpu.VMEM((K,), jnp.int32),
            pltpu.VMEM((K, D), jnp.float32),
            pltpu.VMEM_SHARED((N_ACC, D), jnp.float32),
            pltpu.SemaphoreType.DMA,
        ],
    )
    def sc_scatter(u_hbm, row_hbm, col_hbm, zeros_hbm, out_hbm,
                   ridx, cidx, rows, acc, sem):
        c = lax.axis_index("c")
        s = lax.axis_index("s")
        wid = s * NC + c
        pltpu.sync_copy(zeros_hbm.at[pl.ds(s * RPT, RPT)],
                        acc.at[pl.ds(s * RPT, RPT)])
        plsc.subcore_barrier()
        base0 = wid * (C * K)

        def body(j, carry):
            base = base0 + j * K
            pltpu.sync_copy(row_hbm.at[pl.ds(base, K)], ridx)
            pltpu.sync_copy(col_hbm.at[pl.ds(base, K)], cidx)
            pltpu.async_copy(u_hbm.at[ridx], rows, sem).wait()
            pltpu.sync_copy(rows, acc.at[cidx], add=True)
            return carry

        lax.fori_loop(0, C, body, 0)
        plsc.subcore_barrier()
        pltpu.sync_copy(acc.at[pl.ds(s * RPT, RPT)],
                        out_hbm.at[c, pl.ds(s * RPT, RPT)])

    return sc_scatter


_sc_scatter_d1 = _make_sc_scatter(D1)
_sc_scatter_d2 = _make_sc_scatter(D2)


def _make_sc_degree():
    mesh = plsc.VectorSubcoreMesh(core_axis_name="c", subcore_axis_name="s")

    @functools.partial(
        pl.kernel,
        out_type=jax.ShapeDtypeStruct((NC, N_ACC, D2), jnp.float32),
        mesh=mesh,
        scratch_types=[
            pltpu.VMEM((K,), jnp.int32),
            pltpu.VMEM((K, D2), jnp.float32),
            pltpu.VMEM_SHARED((N_ACC, D2), jnp.float32),
        ],
    )
    def sc_degree(col_hbm, ones_hbm, zeros_hbm, out_hbm, cidx, ones_v, acc):
        c = lax.axis_index("c")
        s = lax.axis_index("s")
        wid = s * NC + c
        pltpu.sync_copy(ones_hbm, ones_v)
        pltpu.sync_copy(zeros_hbm.at[pl.ds(s * RPT, RPT)],
                        acc.at[pl.ds(s * RPT, RPT)])
        plsc.subcore_barrier()
        base0 = wid * (C * K)

        def body(j, carry):
            base = base0 + j * K
            pltpu.sync_copy(col_hbm.at[pl.ds(base, K)], cidx)
            pltpu.sync_copy(ones_v, acc.at[cidx], add=True)
            return carry

        lax.fori_loop(0, C, body, 0)
        plsc.subcore_barrier()
        pltpu.sync_copy(acc.at[pl.ds(s * RPT, RPT)],
                        out_hbm.at[c, pl.ds(s * RPT, RPT)])

    return sc_degree


_sc_degree = _make_sc_degree()



def _tc1_body(degp_ref, x_ref, w1_ref, u_ref, dinv_ref):
    deg = (degp_ref[0, :N, 0:1] + degp_ref[1, :N, 0:1]) + 1.0
    dinv = lax.rsqrt(deg)
    t = jnp.dot(x_ref[...], w1_ref[...], preferred_element_type=jnp.float32)
    u_ref[:N, :] = t * dinv
    u_ref[N:, :] = jnp.zeros((N_ACC - N, D1), jnp.float32)
    dinv_ref[...] = dinv


def _tc2_body(s_ref, u1_ref, dinv_ref, b1_ref, w2_ref, u2_ref):
    dinv = dinv_ref[...]
    agg = s_ref[0, :N, :] + s_ref[1, :N, :] + u1_ref[:N, :]
    h1 = jnp.maximum(dinv * agg + b1_ref[...], 0.0)
    u2 = jnp.dot(h1, w2_ref[...], preferred_element_type=jnp.float32) * dinv
    u2_ref[:N, :] = u2
    u2_ref[N:, :] = jnp.zeros((N_ACC - N, D2), jnp.float32)


def _tc3_body(s_ref, u2_ref, dinv_ref, b2_ref, w34_ref, b34_ref, batch_ref,
              y_ref):
    dinv = dinv_ref[...]
    agg = s_ref[0, :N, :] + s_ref[1, :N, :] + u2_ref[:N, :]
    h2 = jnp.maximum(dinv * agg + b2_ref[...], 0.0)
    z = jnp.sum(h2 * w34_ref[...], axis=1, keepdims=True) + b34_ref[0, 0]
    gid = lax.broadcasted_iota(jnp.int32, (G, N), 0)
    m = (gid == batch_ref[...]).astype(jnp.float32)
    p = jnp.dot(m, z, preferred_element_type=jnp.float32)
    y_ref[...] = jax.nn.sigmoid(p)


def kernel(x, edge_index, batch, W1, b1, W2, b2, W3, b3, W4, b4):
    f32 = jnp.float32
    row = edge_index[0].astype(jnp.int32)
    col = edge_index[1].astype(jnp.int32)
    pad = E_PAD - E
    row_p = jnp.concatenate([row, jnp.zeros((pad,), jnp.int32)])
    col_p = jnp.concatenate([col, jnp.full((pad,), N, jnp.int32)])

    w1p = jnp.pad(W1.astype(f32), ((0, 0), (0, D1 - W1.shape[1])))
    b1p = jnp.pad(b1.astype(f32), (0, D1 - b1.shape[0])).reshape(1, D1)
    w2p = jnp.pad(W2.astype(f32), ((0, D1 - W2.shape[0]), (0, D2 - W2.shape[1])))
    b2p = jnp.pad(b2.astype(f32), (0, D2 - b2.shape[0])).reshape(1, D2)
    w34 = (W3 @ W4).astype(f32)
    b34 = (b3 @ W4 + b4).astype(f32).reshape(1, 1)
    w34p = jnp.pad(w34.reshape(-1), (0, D2 - w34.shape[0])).reshape(1, D2)
    batch2d = batch.astype(jnp.int32).reshape(1, N)

    zeros_d1 = jnp.zeros((N_ACC, D1), f32)
    zeros_d2 = jnp.zeros((N_ACC, D2), f32)
    ones_k = jnp.ones((K, D2), f32)

    deg_p = _sc_degree(col_p, ones_k, zeros_d2)

    u1, dinv = pl.pallas_call(
        _tc1_body,
        out_shape=(jax.ShapeDtypeStruct((N_ACC, D1), f32),
                   jax.ShapeDtypeStruct((N, 1), f32)),
    )(deg_p, x.astype(f32), w1p)

    s1 = _sc_scatter_d1(u1, row_p, col_p, zeros_d1)

    u2 = pl.pallas_call(
        _tc2_body,
        out_shape=jax.ShapeDtypeStruct((N_ACC, D2), f32),
    )(s1, u1, dinv, b1p, w2p)

    s2 = _sc_scatter_d2(u2, row_p, col_p, zeros_d2)

    y = pl.pallas_call(
        _tc3_body,
        out_shape=jax.ShapeDtypeStruct((G, 1), f32),
    )(s2, u2, dinv, b2p, w34p, b34, batch2d)

    return y.reshape(-1)

# --- scband reference (transcript-rebuilt; emitter-appended) ---
"""Pipeline reference for scband-gcn-56547539419220 (READ-ONLY COPY).

The authoritative reference and input builder live on the scoring server;
editing this copy changes nothing except your own understanding.
"""

import jax, jax.numpy as jnp
import numpy as np

N_NODES = 10000
N_EDGES = 320000
NUM_GRAPHS = 128


def gcn_conv(x, edge_index, W, b, n_nodes):
    # PyG GCNConv: linear transform, add self-loops, symmetric normalization, scatter-add to dst
    x = x @ W
    row = edge_index[0]
    col = edge_index[1]
    loop = jnp.arange(n_nodes, dtype=row.dtype)
    row = jnp.concatenate([row, loop])
    col = jnp.concatenate([col, loop])
    ones = jnp.ones(row.shape[0], dtype=x.dtype)
    deg = jax.ops.segment_sum(ones, col, num_segments=n_nodes)
    deg_inv_sqrt = jnp.where(deg > 0, jax.lax.rsqrt(jnp.maximum(deg, 1e-12)), 0.0)
    norm = deg_inv_sqrt[row] * deg_inv_sqrt[col]
    msg = x[row] * norm[:, None]
    out = jax.ops.segment_sum(msg, col, num_segments=n_nodes)
    return out + b


def setup_inputs(seed: int = 0) -> dict:
    key = jax.random.key(seed)
    ks = jax.random.split(key, 12)
    x = jax.random.normal(ks[0], (N_NODES, 136), dtype=jnp.float32)
    edge_index = jax.random.randint(ks[1], (2, N_EDGES), 0, N_NODES, dtype=jnp.int64)
    batch = jnp.sort(jax.random.randint(ks[2], (N_NODES,), 0, NUM_GRAPHS, dtype=jnp.int64))
    W1 = jax.random.normal(ks[3], (136, 68), dtype=jnp.float32) * 0.1
    b1 = jnp.zeros((68,), dtype=jnp.float32)
    W2 = jax.random.normal(ks[4], (68, 6), dtype=jnp.float32) * 0.1
    b2 = jnp.zeros((6,), dtype=jnp.float32)
    W3 = jax.random.normal(ks[5], (6, 3), dtype=jnp.float32) * 0.1
    b3 = jnp.zeros((3,), dtype=jnp.float32)
    W4 = jax.random.normal(ks[6], (3, 1), dtype=jnp.float32) * 0.1
    b4 = jnp.zeros((1,), dtype=jnp.float32)
    return {"x": x, "edge_index": edge_index, "batch": batch,
            "W1": W1, "b1": b1, "W2": W2, "b2": b2,
            "W3": W3, "b3": b3, "W4": W4, "b4": b4}


def reference(x, edge_index, batch, W1, b1, W2, b2, W3, b3, W4, b4):
    h = jax.nn.relu(gcn_conv(x, edge_index, W1, b1, N_NODES))
    h = jax.nn.relu(gcn_conv(h, edge_index, W2, b2, N_NODES))
    h = h @ W3 + b3
    y = h @ W4 + b4
    y = jax.ops.segment_sum(y, batch, num_segments=NUM_GRAPHS)
    y = y.reshape(-1)
    return jax.nn.sigmoid(y)

if __name__ == "__main__":
    import jax
    _d = setup_inputs()
    print(jax.jit(kernel)(*tuple(_d.values())))

</pallas_src>

<mosaic_0001>
#map = affine_map<(d0, d1) -> (0, 0)>
#map1 = affine_map<(d0, d1) -> (0)>
#map2 = affine_map<(d0, d1) -> (0, 0, 0)>
module attributes {stable_mosaic.version = 14 : i64} {
  func.func @sc_scatter(%arg0: i32, %arg1: i32, %arg2: memref<10112x128xf32, #tpu.memory_space<hbm>>, %arg3: memref<323584xi32, #tpu.memory_space<hbm>>, %arg4: memref<323584xi32, #tpu.memory_space<hbm>>, %arg5: memref<10112x128xf32, #tpu.memory_space<hbm>>, %arg6: memref<2x10112x128xf32, #tpu.memory_space<hbm>>, %arg7: memref<128xi32, #tpu.memory_space<vmem>>, %arg8: memref<128xi32, #tpu.memory_space<vmem>>, %arg9: memref<128x128xf32, #tpu.memory_space<vmem>>, %arg10: memref<10112x128xf32, #tpu.memory_space<vmem_shared>>, %arg11: memref<!tpu.dma_semaphore, #tpu.memory_space<semaphore_mem>>) attributes {dimension_semantics = [#tpu.dimension_semantics<core_parallel>, #tpu.dimension_semantics<subcore_parallel>], iteration_bounds = array<i64: 2, 16>, scalar_prefetch = 0 : i64, scratch_operands = 5 : i64, tpu.core_type = #tpu.core_type<sc_vector_subcore>, window_params = [{transform_indices = #map}, {transform_indices = #map1}, {transform_indices = #map1}, {transform_indices = #map}, {transform_indices = #map2}]} {
    %mul3A = arith.constant 2 : i32
    %mul3A_0 = arith.muli %arg1, %mul3A : i32
    %add3A = arith.addi %mul3A_0, %arg0 : i32
    %mul3A_1 = arith.constant 632 : i32
    %mul3A_2 = arith.muli %arg1, %mul3A_1 : i32
    %mul3A_3 = arith.constant 632 : i32
    %mul3A_4 = arith.muli %arg1, %mul3A_3 : i32
    "tpu.region"() ({
      %run_scoped3A = tpu.sem_alloc : memref<!tpu.dma_semaphore, #tpu.memory_space<semaphore_mem>>
      %dma_start3A = arith.constant 0 : i32
      %dma_start3A_17 = tpu.memref_slice %arg10[%mul3A_4, %dma_start3A] : memref<10112x128xf32, #tpu.memory_space<vmem_shared>> -> memref<632x128xf32, #tpu.memory_space<vmem_shared>>
      %dma_start3A_18 = arith.constant 0 : i32
      %dma_start3A_19 = tpu.memref_slice %arg5[%mul3A_2, %dma_start3A_18] : memref<10112x128xf32, #tpu.memory_space<hbm>> -> memref<632x128xf32, #tpu.memory_space<hbm>>
      tpu.enqueue_dma source(%dma_start3A_19 : memref<632x128xf32, #tpu.memory_space<hbm>>) target(%dma_start3A_17 : memref<632x128xf32, #tpu.memory_space<vmem_shared>>) target_semaphore(%run_scoped3A : memref<!tpu.dma_semaphore, #tpu.memory_space<semaphore_mem>>)
      %dma_wait3A = arith.constant 0 : i32
      %dma_wait3A_20 = tpu.memref_slice %arg10[%mul3A_4, %dma_wait3A] : memref<10112x128xf32, #tpu.memory_space<vmem_shared>> -> memref<632x128xf32, #tpu.memory_space<vmem_shared>>
      %dma_wait3A_21 = arith.constant 0 : i32
      %dma_wait3A_22 = tpu.memref_slice %arg5[%mul3A_2, %dma_wait3A_21] : memref<10112x128xf32, #tpu.memory_space<hbm>> -> memref<632x128xf32, #tpu.memory_space<hbm>>
      tpu.wait_dma2 semaphore(%run_scoped3A : memref<!tpu.dma_semaphore, #tpu.memory_space<semaphore_mem>>) src(%dma_wait3A_22 : memref<632x128xf32, #tpu.memory_space<hbm>>) dst(%dma_wait3A_20 : memref<632x128xf32, #tpu.memory_space<vmem_shared>>)
      tpu.yield
    }) : () -> ()
    %barrier3A = arith.constant 0 : index
    tpu.barrier barrier_id(%barrier3A)
    %mul3A_5 = arith.constant 10112 : i32
    %mul3A_6 = arith.muli %add3A, %mul3A_5 : i32
    %scan3A = arith.constant 0 : i32
    %scan3A_7 = arith.constant 0 : i32
    %scan3A_8 = arith.constant 79 : i32
    %scan3A_9 = arith.addi %scan3A_7, %scan3A_8 : i32
    %scan3A_10 = arith.constant 1 : i32
    scf.for %scan3A_17 = %scan3A_7 to %scan3A_9 step %scan3A_10  : i32 {
      %mul3A_18 = arith.constant 128 : i32
      %mul3A_19 = arith.muli %scan3A_17, %mul3A_18 : i32
      %add3A_20 = arith.addi %mul3A_6, %mul3A_19 : i32
      "tpu.region"() ({
        %run_scoped3A = tpu.sem_alloc : memref<!tpu.dma_semaphore, #tpu.memory_space<semaphore_mem>>
        %dma_start3A_25 = tpu.memref_slice %arg3[%add3A_20] : memref<323584xi32, #tpu.memory_space<hbm>> -> memref<128xi32, #tpu.memory_space<hbm>>
        %dma_start3A_26 = tpu.memref_slice %arg3[%add3A_20] : memref<323584xi32, #tpu.memory_space<hbm>> -> memref<128xi32, #tpu.memory_space<hbm>>
        tpu.enqueue_dma source(%dma_start3A_26 : memref<128xi32, #tpu.memory_space<hbm>>) target(%arg7 : memref<128xi32, #tpu.memory_space<vmem>>) target_semaphore(%run_scoped3A : memref<!tpu.dma_semaphore, #tpu.memory_space<semaphore_mem>>)
        %dma_wait3A_27 = tpu.memref_slice %arg3[%add3A_20] : memref<323584xi32, #tpu.memory_space<hbm>> -> memref<128xi32, #tpu.memory_space<hbm>>
        %dma_wait3A_28 = tpu.memref_slice %arg3[%add3A_20] : memref<323584xi32, #tpu.memory_space<hbm>> -> memref<128xi32, #tpu.memory_space<hbm>>
        tpu.wait_dma2 semaphore(%run_scoped3A : memref<!tpu.dma_semaphore, #tpu.memory_space<semaphore_mem>>) src(%dma_wait3A_28 : memref<128xi32, #tpu.memory_space<hbm>>) dst(%arg7 : memref<128xi32, #tpu.memory_space<vmem>>)
        tpu.yield
      }) : () -> ()
      "tpu.region"() ({
        %run_scoped3A = tpu.sem_alloc : memref<!tpu.dma_semaphore, #tpu.memory_space<semaphore_mem>>
        %dma_start3A_25 = tpu.memref_slice %arg4[%add3A_20] : memref<323584xi32, #tpu.memory_space<hbm>> -> memref<128xi32, #tpu.memory_space<hbm>>
        %dma_start3A_26 = tpu.memref_slice %arg4[%add3A_20] : memref<323584xi32, #tpu.memory_space<hbm>> -> memref<128xi32, #tpu.memory_space<hbm>>
        tpu.enqueue_dma source(%dma_start3A_26 : memref<128xi32, #tpu.memory_space<hbm>>) target(%arg8 : memref<128xi32, #tpu.memory_space<vmem>>) target_semaphore(%run_scoped3A : memref<!tpu.dma_semaphore, #tpu.memory_space<semaphore_mem>>)
        %dma_wait3A_27 = tpu.memref_slice %arg4[%add3A_20] : memref<323584xi32, #tpu.memory_space<hbm>> -> memref<128xi32, #tpu.memory_space<hbm>>
        %dma_wait3A_28 = tpu.memref_slice %arg4[%add3A_20] : memref<323584xi32, #tpu.memory_space<hbm>> -> memref<128xi32, #tpu.memory_space<hbm>>
        tpu.wait_dma2 semaphore(%run_scoped3A : memref<!tpu.dma_semaphore, #tpu.memory_space<semaphore_mem>>) src(%dma_wait3A_28 : memref<128xi32, #tpu.memory_space<hbm>>) dst(%arg8 : memref<128xi32, #tpu.memory_space<vmem>>)
        tpu.yield
      }) : () -> ()
      %dma_start3A = arith.constant 0 : i32
      %dma_start3A_21 = arith.constant 0 : i32
      %dma_start3A_22 = tpu.memref_slice %arg2[%dma_start3A, %dma_start3A_21] : memref<10112x128xf32, #tpu.memory_space<hbm>> -> memref<10112x128xf32, #tpu.memory_space<hbm>>
      tpu.enqueue_indirect_dma source(%dma_start3A_22 : memref<10112x128xf32, #tpu.memory_space<hbm>>) target(%arg9 : memref<128x128xf32, #tpu.memory_space<vmem>>) offsets(%arg7 : memref<128xi32, #tpu.memory_space<vmem>>) semaphore(%arg11 : memref<!tpu.dma_semaphore, #tpu.memory_space<semaphore_mem>>)
      %dma_wait3A = arith.constant 0 : i32
      %dma_wait3A_23 = arith.constant 0 : i32
      %dma_wait3A_24 = tpu.memref_slice %arg2[%dma_wait3A, %dma_wait3A_23] : memref<10112x128xf32, #tpu.memory_space<hbm>> -> memref<10112x128xf32, #tpu.memory_space<hbm>>
      tpu.wait_indirect_dma semaphore(%arg11 : memref<!tpu.dma_semaphore, #tpu.memory_space<semaphore_mem>>) src(%dma_wait3A_24 : memref<10112x128xf32, #tpu.memory_space<hbm>>) dst(%arg9 : memref<128x128xf32, #tpu.memory_space<vmem>>)
      "tpu.region"() ({
        %run_scoped3A = tpu.sem_alloc : memref<!tpu.dma_semaphore, #tpu.memory_space<semaphore_mem>>
        %dma_start3A_25 = arith.constant 0 : i32
        %dma_start3A_26 = arith.constant 0 : i32
        %dma_start3A_27 = tpu.memref_slice %arg10[%dma_start3A_25, %dma_start3A_26] : memref<10112x128xf32, #tpu.memory_space<vmem_shared>> -> memref<10112x128xf32, #tpu.memory_space<vmem_shared>>
        tpu.enqueue_indirect_dma source(%arg9 : memref<128x128xf32, #tpu.memory_space<vmem>>) target(%dma_start3A_27 : memref<10112x128xf32, #tpu.memory_space<vmem_shared>>) offsets(%arg8 : memref<128xi32, #tpu.memory_space<vmem>>) semaphore(%run_scoped3A : memref<!tpu.dma_semaphore, #tpu.memory_space<semaphore_mem>>) {add = true}
        %dma_wait3A_28 = arith.constant 0 : i32
        %dma_wait3A_29 = arith.constant 0 : i32
        %dma_wait3A_30 = tpu.memref_slice %arg10[%dma_wait3A_28, %dma_wait3A_29] : memref<10112x128xf32, #tpu.memory_space<vmem_shared>> -> memref<10112x128xf32, #tpu.memory_space<vmem_shared>>
        tpu.wait_indirect_dma semaphore(%run_scoped3A : memref<!tpu.dma_semaphore, #tpu.memory_space<semaphore_mem>>) src(%arg9 : memref<128x128xf32, #tpu.memory_space<vmem>>) dst(%dma_wait3A_30 : memref<10112x128xf32, #tpu.memory_space<vmem_shared>>)
        tpu.yield
      }) : () -> ()
    }
    %scan3A_11 = arith.constant 79 : i32
    %barrier3A_12 = arith.constant 0 : index
    tpu.barrier barrier_id(%barrier3A_12)
    %mul3A_13 = arith.constant 632 : i32
    %mul3A_14 = arith.muli %arg1, %mul3A_13 : i32
    %mul3A_15 = arith.constant 632 : i32
    %mul3A_16 = arith.muli %arg1, %mul3A_15 : i32
    "tpu.region"() ({
      %run_scoped3A = tpu.sem_alloc : memref<!tpu.dma_semaphore, #tpu.memory_space<semaphore_mem>>
      %dma_start3A = arith.constant 0 : i32
      %dma_start3A_17 = tpu.memref_slice %arg6[%arg0, %mul3A_16, %dma_start3A] : memref<2x10112x128xf32, #tpu.memory_space<hbm>> -> memref<1x632x128xf32, #tpu.memory_space<hbm>>
      %dma_start3A_18 = tpu.memref_squeeze %dma_start3A_17 : memref<1x632x128xf32, #tpu.memory_space<hbm>> -> memref<632x128xf32, #tpu.memory_space<hbm>>
      %dma_start3A_19 = arith.constant 0 : i32
      %dma_start3A_20 = tpu.memref_slice %arg10[%mul3A_14, %dma_start3A_19] : memref<10112x128xf32, #tpu.memory_space<vmem_shared>> -> memref<632x128xf32, #tpu.memory_space<vmem_shared>>
      tpu.enqueue_dma source(%dma_start3A_20 : memref<632x128xf32, #tpu.memory_space<vmem_shared>>) target(%dma_start3A_18 : memref<632x128xf32, #tpu.memory_space<hbm>>) target_semaphore(%run_scoped3A : memref<!tpu.dma_semaphore, #tpu.memory_space<semaphore_mem>>)
      %dma_wait3A = arith.constant 0 : i32
      %dma_wait3A_21 = tpu.memref_slice %arg6[%arg0, %mul3A_16, %dma_wait3A] : memref<2x10112x128xf32, #tpu.memory_space<hbm>> -> memref<1x632x128xf32, #tpu.memory_space<hbm>>
      %dma_wait3A_22 = tpu.memref_squeeze %dma_wait3A_21 : memref<1x632x128xf32, #tpu.memory_space<hbm>> -> memref<632x128xf32, #tpu.memory_space<hbm>>
      %dma_wait3A_23 = arith.constant 0 : i32
      %dma_wait3A_24 = tpu.memref_slice %arg10[%mul3A_14, %dma_wait3A_23] : memref<10112x128xf32, #tpu.memory_space<vmem_shared>> -> memref<632x128xf32, #tpu.memory_space<vmem_shared>>
      tpu.wait_dma2 semaphore(%run_scoped3A : memref<!tpu.dma_semaphore, #tpu.memory_space<semaphore_mem>>) src(%dma_wait3A_24 : memref<632x128xf32, #tpu.memory_space<vmem_shared>>) dst(%dma_wait3A_22 : memref<632x128xf32, #tpu.memory_space<hbm>>)
      tpu.yield
    }) : () -> ()
    return
  }
}

#map = affine_map<(d0, d1) -> (0)>
#map1 = affine_map<(d0, d1) -> (0, 0)>
#map2 = affine_map<(d0, d1) -> (0, 0, 0)>
module attributes {stable_mosaic.version = 14 : i64} {
  func.func @sc_degree(%arg0: i32, %arg1: i32, %arg2: memref<323584xi32, #tpu.memory_space<hbm>>, %arg3: memref<128x128xf32, #tpu.memory_space<hbm>>, %arg4: memref<10112x128xf32, #tpu.memory_space<hbm>>, %arg5: memref<2x10112x128xf32, #tpu.memory_space<hbm>>, %arg6: memref<128xi32, #tpu.memory_space<vmem>>, %arg7: memref<128x128xf32, #tpu.memory_space<vmem>>, %arg8: memref<10112x128xf32, #tpu.memory_space<vmem_shared>>) attributes {dimension_semantics = [#tpu.dimension_semantics<core_parallel>, #tpu.dimension_semantics<subcore_parallel>], iteration_bounds = array<i64: 2, 16>, scalar_prefetch = 0 : i64, scratch_operands = 3 : i64, tpu.core_type = #tpu.core_type<sc_vector_subcore>, window_params = [{transform_indices = #map}, {transform_indices = #map1}, {transform_indices = #map1}, {transform_indices = #map2}]} {
    %mul3A = arith.constant 2 : i32
    %mul3A_0 = arith.muli %arg1, %mul3A : i32
    %add3A = arith.addi %mul3A_0, %arg0 : i32
    "tpu.region"() ({
      %run_scoped3A = tpu.sem_alloc : memref<!tpu.dma_semaphore, #tpu.memory_space<semaphore_mem>>
      tpu.enqueue_dma source(%arg3 : memref<128x128xf32, #tpu.memory_space<hbm>>) target(%arg7 : memref<128x128xf32, #tpu.memory_space<vmem>>) target_semaphore(%run_scoped3A : memref<!tpu.dma_semaphore, #tpu.memory_space<semaphore_mem>>)
      tpu.wait_dma2 semaphore(%run_scoped3A : memref<!tpu.dma_semaphore, #tpu.memory_space<semaphore_mem>>) src(%arg3 : memref<128x128xf32, #tpu.memory_space<hbm>>) dst(%arg7 : memref<128x128xf32, #tpu.memory_space<vmem>>)
      tpu.yield
    }) : () -> ()
    %mul3A_1 = arith.constant 632 : i32
    %mul3A_2 = arith.muli %arg1, %mul3A_1 : i32
    %mul3A_3 = arith.constant 632 : i32
    %mul3A_4 = arith.muli %arg1, %mul3A_3 : i32
    "tpu.region"() ({
      %run_scoped3A = tpu.sem_alloc : memref<!tpu.dma_semaphore, #tpu.memory_space<semaphore_mem>>
      %dma_start3A = arith.constant 0 : i32
      %dma_start3A_17 = tpu.memref_slice %arg8[%mul3A_4, %dma_start3A] : memref<10112x128xf32, #tpu.memory_space<vmem_shared>> -> memref<632x128xf32, #tpu.memory_space<vmem_shared>>
      %dma_start3A_18 = arith.constant 0 : i32
      %dma_start3A_19 = tpu.memref_slice %arg4[%mul3A_2, %dma_start3A_18] : memref<10112x128xf32, #tpu.memory_space<hbm>> -> memref<632x128xf32, #tpu.memory_space<hbm>>
      tpu.enqueue_dma source(%dma_start3A_19 : memref<632x128xf32, #tpu.memory_space<hbm>>) target(%dma_start3A_17 : memref<632x128xf32, #tpu.memory_space<vmem_shared>>) target_semaphore(%run_scoped3A : memref<!tpu.dma_semaphore, #tpu.memory_space<semaphore_mem>>)
      %dma_wait3A = arith.constant 0 : i32
      %dma_wait3A_20 = tpu.memref_slice %arg8[%mul3A_4, %dma_wait3A] : memref<10112x128xf32, #tpu.memory_space<vmem_shared>> -> memref<632x128xf32, #tpu.memory_space<vmem_shared>>
      %dma_wait3A_21 = arith.constant 0 : i32
      %dma_wait3A_22 = tpu.memref_slice %arg4[%mul3A_2, %dma_wait3A_21] : memref<10112x128xf32, #tpu.memory_space<hbm>> -> memref<632x128xf32, #tpu.memory_space<hbm>>
      tpu.wait_dma2 semaphore(%run_scoped3A : memref<!tpu.dma_semaphore, #tpu.memory_space<semaphore_mem>>) src(%dma_wait3A_22 : memref<632x128xf32, #tpu.memory_space<hbm>>) dst(%dma_wait3A_20 : memref<632x128xf32, #tpu.memory_space<vmem_shared>>)
      tpu.yield
    }) : () -> ()
    %barrier3A = arith.constant 0 : index
    tpu.barrier barrier_id(%barrier3A)
    %mul3A_5 = arith.constant 10112 : i32
    %mul3A_6 = arith.muli %add3A, %mul3A_5 : i32
    %scan3A = arith.constant 0 : i32
    %scan3A_7 = arith.constant 0 : i32
    %scan3A_8 = arith.constant 79 : i32
    %scan3A_9 = arith.addi %scan3A_7, %scan3A_8 : i32
    %scan3A_10 = arith.constant 1 : i32
    scf.for %scan3A_17 = %scan3A_7 to %scan3A_9 step %scan3A_10  : i32 {
      %mul3A_18 = arith.constant 128 : i32
      %mul3A_19 = arith.muli %scan3A_17, %mul3A_18 : i32
      %add3A_20 = arith.addi %mul3A_6, %mul3A_19 : i32
      "tpu.region"() ({
        %run_scoped3A = tpu.sem_alloc : memref<!tpu.dma_semaphore, #tpu.memory_space<semaphore_mem>>
        %dma_start3A = tpu.memref_slice %arg2[%add3A_20] : memref<323584xi32, #tpu.memory_space<hbm>> -> memref<128xi32, #tpu.memory_space<hbm>>
        %dma_start3A_21 = tpu.memref_slice %arg2[%add3A_20] : memref<323584xi32, #tpu.memory_space<hbm>> -> memref<128xi32, #tpu.memory_space<hbm>>
        tpu.enqueue_dma source(%dma_start3A_21 : memref<128xi32, #tpu.memory_space<hbm>>) target(%arg6 : memref<128xi32, #tpu.memory_space<vmem>>) target_semaphore(%run_scoped3A : memref<!tpu.dma_semaphore, #tpu.memory_space<semaphore_mem>>)
        %dma_wait3A = tpu.memref_slice %arg2[%add3A_20] : memref<323584xi32, #tpu.memory_space<hbm>> -> memref<128xi32, #tpu.memory_space<hbm>>
        %dma_wait3A_22 = tpu.memref_slice %arg2[%add3A_20] : memref<323584xi32, #tpu.memory_space<hbm>> -> memref<128xi32, #tpu.memory_space<hbm>>
        tpu.wait_dma2 semaphore(%run_scoped3A : memref<!tpu.dma_semaphore, #tpu.memory_space<semaphore_mem>>) src(%dma_wait3A_22 : memref<128xi32, #tpu.memory_space<hbm>>) dst(%arg6 : memref<128xi32, #tpu.memory_space<vmem>>)
        tpu.yield
      }) : () -> ()
      "tpu.region"() ({
        %run_scoped3A = tpu.sem_alloc : memref<!tpu.dma_semaphore, #tpu.memory_space<semaphore_mem>>
        %dma_start3A = arith.constant 0 : i32
        %dma_start3A_21 = arith.constant 0 : i32
        %dma_start3A_22 = tpu.memref_slice %arg8[%dma_start3A, %dma_start3A_21] : memref<10112x128xf32, #tpu.memory_space<vmem_shared>> -> memref<10112x128xf32, #tpu.memory_space<vmem_shared>>
        tpu.enqueue_indirect_dma source(%arg7 : memref<128x128xf32, #tpu.memory_space<vmem>>) target(%dma_start3A_22 : memref<10112x128xf32, #tpu.memory_space<vmem_shared>>) offsets(%arg6 : memref<128xi32, #tpu.memory_space<vmem>>) semaphore(%run_scoped3A : memref<!tpu.dma_semaphore, #tpu.memory_space<semaphore_mem>>) {add = true}
        %dma_wait3A = arith.constant 0 : i32
        %dma_wait3A_23 = arith.constant 0 : i32
        %dma_wait3A_24 = tpu.memref_slice %arg8[%dma_wait3A, %dma_wait3A_23] : memref<10112x128xf32, #tpu.memory_space<vmem_shared>> -> memref<10112x128xf32, #tpu.memory_space<vmem_shared>>
        tpu.wait_indirect_dma semaphore(%run_scoped3A : memref<!tpu.dma_semaphore, #tpu.memory_space<semaphore_mem>>) src(%arg7 : memref<128x128xf32, #tpu.memory_space<vmem>>) dst(%dma_wait3A_24 : memref<10112x128xf32, #tpu.memory_space<vmem_shared>>)
        tpu.yield
      }) : () -> ()
    }
    %scan3A_11 = arith.constant 79 : i32
    %barrier3A_12 = arith.constant 0 : index
    tpu.barrier barrier_id(%barrier3A_12)
    %mul3A_13 = arith.constant 632 : i32
    %mul3A_14 = arith.muli %arg1, %mul3A_13 : i32
    %mul3A_15 = arith.constant 632 : i32
    %mul3A_16 = arith.muli %arg1, %mul3A_15 : i32
    "tpu.region"() ({
      %run_scoped3A = tpu.sem_alloc : memref<!tpu.dma_semaphore, #tpu.memory_space<semaphore_mem>>
      %dma_start3A = arith.constant 0 : i32
      %dma_start3A_17 = tpu.memref_slice %arg5[%arg0, %mul3A_16, %dma_start3A] : memref<2x10112x128xf32, #tpu.memory_space<hbm>> -> memref<1x632x128xf32, #tpu.memory_space<hbm>>
      %dma_start3A_18 = tpu.memref_squeeze %dma_start3A_17 : memref<1x632x128xf32, #tpu.memory_space<hbm>> -> memref<632x128xf32, #tpu.memory_space<hbm>>
      %dma_start3A_19 = arith.constant 0 : i32
      %dma_start3A_20 = tpu.memref_slice %arg8[%mul3A_14, %dma_start3A_19] : memref<10112x128xf32, #tpu.memory_space<vmem_shared>> -> memref<632x128xf32, #tpu.memory_space<vmem_shared>>
      tpu.enqueue_dma source(%dma_start3A_20 : memref<632x128xf32, #tpu.memory_space<vmem_shared>>) target(%dma_start3A_18 : memref<632x128xf32, #tpu.memory_space<hbm>>) target_semaphore(%run_scoped3A : memref<!tpu.dma_semaphore, #tpu.memory_space<semaphore_mem>>)
      %dma_wait3A = arith.constant 0 : i32
      %dma_wait3A_21 = tpu.memref_slice %arg5[%arg0, %mul3A_16, %dma_wait3A] : memref<2x10112x128xf32, #tpu.memory_space<hbm>> -> memref<1x632x128xf32, #tpu.memory_space<hbm>>
      %dma_wait3A_22 = tpu.memref_squeeze %dma_wait3A_21 : memref<1x632x128xf32, #tpu.memory_space<hbm>> -> memref<632x128xf32, #tpu.memory_space<hbm>>
      %dma_wait3A_23 = arith.constant 0 : i32
      %dma_wait3A_24 = tpu.memref_slice %arg8[%mul3A_14, %dma_wait3A_23] : memref<10112x128xf32, #tpu.memory_space<vmem_shared>> -> memref<632x128xf32, #tpu.memory_space<vmem_shared>>
      tpu.wait_dma2 semaphore(%run_scoped3A : memref<!tpu.dma_semaphore, #tpu.memory_space<semaphore_mem>>) src(%dma_wait3A_24 : memref<632x128xf32, #tpu.memory_space<vmem_shared>>) dst(%dma_wait3A_22 : memref<632x128xf32, #tpu.memory_space<hbm>>)
      tpu.yield
    }) : () -> ()
    return
  }
}

#map = affine_map<(d0, d1) -> (0, 0)>
#map1 = affine_map<(d0, d1) -> (0)>
#map2 = affine_map<(d0, d1) -> (0, 0, 0)>
module attributes {stable_mosaic.version = 14 : i64} {
  func.func @sc_scatter(%arg0: i32, %arg1: i32, %arg2: memref<10112x128xf32, #tpu.memory_space<hbm>>, %arg3: memref<323584xi32, #tpu.memory_space<hbm>>, %arg4: memref<323584xi32, #tpu.memory_space<hbm>>, %arg5: memref<10112x128xf32, #tpu.memory_space<hbm>>, %arg6: memref<2x10112x128xf32, #tpu.memory_space<hbm>>, %arg7: memref<128xi32, #tpu.memory_space<vmem>>, %arg8: memref<128xi32, #tpu.memory_space<vmem>>, %arg9: memref<128x128xf32, #tpu.memory_space<vmem>>, %arg10: memref<10112x128xf32, #tpu.memory_space<vmem_shared>>, %arg11: memref<!tpu.dma_semaphore, #tpu.memory_space<semaphore_mem>>) attributes {dimension_semantics = [#tpu.dimension_semantics<core_parallel>, #tpu.dimension_semantics<subcore_parallel>], iteration_bounds = array<i64: 2, 16>, scalar_prefetch = 0 : i64, scratch_operands = 5 : i64, tpu.core_type = #tpu.core_type<sc_vector_subcore>, window_params = [{transform_indices = #map}, {transform_indices = #map1}, {transform_indices = #map1}, {transform_indices = #map}, {transform_indices = #map2}]} {
    %mul3A = arith.constant 2 : i32
    %mul3A_0 = arith.muli %arg1, %mul3A : i32
    %add3A = arith.addi %mul3A_0, %arg0 : i32
    %mul3A_1 = arith.constant 632 : i32
    %mul3A_2 = arith.muli %arg1, %mul3A_1 : i32
    %mul3A_3 = arith.constant 632 : i32
    %mul3A_4 = arith.muli %arg1, %mul3A_3 : i32
    "tpu.region"() ({
      %run_scoped3A = tpu.sem_alloc : memref<!tpu.dma_semaphore, #tpu.memory_space<semaphore_mem>>
      %dma_start3A = arith.constant 0 : i32
      %dma_start3A_17 = tpu.memref_slice %arg10[%mul3A_4, %dma_start3A] : memref<10112x128xf32, #tpu.memory_space<vmem_shared>> -> memref<632x128xf32, #tpu.memory_space<vmem_shared>>
      %dma_start3A_18 = arith.constant 0 : i32
      %dma_start3A_19 = tpu.memref_slice %arg5[%mul3A_2, %dma_start3A_18] : memref<10112x128xf32, #tpu.memory_space<hbm>> -> memref<632x128xf32, #tpu.memory_space<hbm>>
      tpu.enqueue_dma source(%dma_start3A_19 : memref<632x128xf32, #tpu.memory_space<hbm>>) target(%dma_start3A_17 : memref<632x128xf32, #tpu.memory_space<vmem_shared>>) target_semaphore(%run_scoped3A : memref<!tpu.dma_semaphore, #tpu.memory_space<semaphore_mem>>)
      %dma_wait3A = arith.constant 0 : i32
      %dma_wait3A_20 = tpu.memref_slice %arg10[%mul3A_4, %dma_wait3A] : memref<10112x128xf32, #tpu.memory_space<vmem_shared>> -> memref<632x128xf32, #tpu.memory_space<vmem_shared>>
      %dma_wait3A_21 = arith.constant 0 : i32
      %dma_wait3A_22 = tpu.memref_slice %arg5[%mul3A_2, %dma_wait3A_21] : memref<10112x128xf32, #tpu.memory_space<hbm>> -> memref<632x128xf32, #tpu.memory_space<hbm>>
      tpu.wait_dma2 semaphore(%run_scoped3A : memref<!tpu.dma_semaphore, #tpu.memory_space<semaphore_mem>>) src(%dma_wait3A_22 : memref<632x128xf32, #tpu.memory_space<hbm>>) dst(%dma_wait3A_20 : memref<632x128xf32, #tpu.memory_space<vmem_shared>>)
      tpu.yield
    }) : () -> ()
    %barrier3A = arith.constant 0 : index
    tpu.barrier barrier_id(%barrier3A)
    %mul3A_5 = arith.constant 10112 : i32
    %mul3A_6 = arith.muli %add3A, %mul3A_5 : i32
    %scan3A = arith.constant 0 : i32
    %scan3A_7 = arith.constant 0 : i32
    %scan3A_8 = arith.constant 79 : i32
    %scan3A_9 = arith.addi %scan3A_7, %scan3A_8 : i32
    %scan3A_10 = arith.constant 1 : i32
    scf.for %scan3A_17 = %scan3A_7 to %scan3A_9 step %scan3A_10  : i32 {
      %mul3A_18 = arith.constant 128 : i32
      %mul3A_19 = arith.muli %scan3A_17, %mul3A_18 : i32
      %add3A_20 = arith.addi %mul3A_6, %mul3A_19 : i32
      "tpu.region"() ({
        %run_scoped3A = tpu.sem_alloc : memref<!tpu.dma_semaphore, #tpu.memory_space<semaphore_mem>>
        %dma_start3A_25 = tpu.memref_slice %arg3[%add3A_20] : memref<323584xi32, #tpu.memory_space<hbm>> -> memref<128xi32, #tpu.memory_space<hbm>>
        %dma_start3A_26 = tpu.memref_slice %arg3[%add3A_20] : memref<323584xi32, #tpu.memory_space<hbm>> -> memref<128xi32, #tpu.memory_space<hbm>>
        tpu.enqueue_dma source(%dma_start3A_26 : memref<128xi32, #tpu.memory_space<hbm>>) target(%arg7 : memref<128xi32, #tpu.memory_space<vmem>>) target_semaphore(%run_scoped3A : memref<!tpu.dma_semaphore, #tpu.memory_space<semaphore_mem>>)
        %dma_wait3A_27 = tpu.memref_slice %arg3[%add3A_20] : memref<323584xi32, #tpu.memory_space<hbm>> -> memref<128xi32, #tpu.memory_space<hbm>>
        %dma_wait3A_28 = tpu.memref_slice %arg3[%add3A_20] : memref<323584xi32, #tpu.memory_space<hbm>> -> memref<128xi32, #tpu.memory_space<hbm>>
        tpu.wait_dma2 semaphore(%run_scoped3A : memref<!tpu.dma_semaphore, #tpu.memory_space<semaphore_mem>>) src(%dma_wait3A_28 : memref<128xi32, #tpu.memory_space<hbm>>) dst(%arg7 : memref<128xi32, #tpu.memory_space<vmem>>)
        tpu.yield
      }) : () -> ()
      "tpu.region"() ({
        %run_scoped3A = tpu.sem_alloc : memref<!tpu.dma_semaphore, #tpu.memory_space<semaphore_mem>>
        %dma_start3A_25 = tpu.memref_slice %arg4[%add3A_20] : memref<323584xi32, #tpu.memory_space<hbm>> -> memref<128xi32, #tpu.memory_space<hbm>>
        %dma_start3A_26 = tpu.memref_slice %arg4[%add3A_20] : memref<323584xi32, #tpu.memory_space<hbm>> -> memref<128xi32, #tpu.memory_space<hbm>>
        tpu.enqueue_dma source(%dma_start3A_26 : memref<128xi32, #tpu.memory_space<hbm>>) target(%arg8 : memref<128xi32, #tpu.memory_space<vmem>>) target_semaphore(%run_scoped3A : memref<!tpu.dma_semaphore, #tpu.memory_space<semaphore_mem>>)
        %dma_wait3A_27 = tpu.memref_slice %arg4[%add3A_20] : memref<323584xi32, #tpu.memory_space<hbm>> -> memref<128xi32, #tpu.memory_space<hbm>>
        %dma_wait3A_28 = tpu.memref_slice %arg4[%add3A_20] : memref<323584xi32, #tpu.memory_space<hbm>> -> memref<128xi32, #tpu.memory_space<hbm>>
        tpu.wait_dma2 semaphore(%run_scoped3A : memref<!tpu.dma_semaphore, #tpu.memory_space<semaphore_mem>>) src(%dma_wait3A_28 : memref<128xi32, #tpu.memory_space<hbm>>) dst(%arg8 : memref<128xi32, #tpu.memory_space<vmem>>)
        tpu.yield
      }) : () -> ()
      %dma_start3A = arith.constant 0 : i32
      %dma_start3A_21 = arith.constant 0 : i32
      %dma_start3A_22 = tpu.memref_slice %arg2[%dma_start3A, %dma_start3A_21] : memref<10112x128xf32, #tpu.memory_space<hbm>> -> memref<10112x128xf32, #tpu.memory_space<hbm>>
      tpu.enqueue_indirect_dma source(%dma_start3A_22 : memref<10112x128xf32, #tpu.memory_space<hbm>>) target(%arg9 : memref<128x128xf32, #tpu.memory_space<vmem>>) offsets(%arg7 : memref<128xi32, #tpu.memory_space<vmem>>) semaphore(%arg11 : memref<!tpu.dma_semaphore, #tpu.memory_space<semaphore_mem>>)
      %dma_wait3A = arith.constant 0 : i32
      %dma_wait3A_23 = arith.constant 0 : i32
      %dma_wait3A_24 = tpu.memref_slice %arg2[%dma_wait3A, %dma_wait3A_23] : memref<10112x128xf32, #tpu.memory_space<hbm>> -> memref<10112x128xf32, #tpu.memory_space<hbm>>
      tpu.wait_indirect_dma semaphore(%arg11 : memref<!tpu.dma_semaphore, #tpu.memory_space<semaphore_mem>>) src(%dma_wait3A_24 : memref<10112x128xf32, #tpu.memory_space<hbm>>) dst(%arg9 : memref<128x128xf32, #tpu.memory_space<vmem>>)
      "tpu.region"() ({
        %run_scoped3A = tpu.sem_alloc : memref<!tpu.dma_semaphore, #tpu.memory_space<semaphore_mem>>
        %dma_start3A_25 = arith.constant 0 : i32
        %dma_start3A_26 = arith.constant 0 : i32
        %dma_start3A_27 = tpu.memref_slice %arg10[%dma_start3A_25, %dma_start3A_26] : memref<10112x128xf32, #tpu.memory_space<vmem_shared>> -> memref<10112x128xf32, #tpu.memory_space<vmem_shared>>
        tpu.enqueue_indirect_dma source(%arg9 : memref<128x128xf32, #tpu.memory_space<vmem>>) target(%dma_start3A_27 : memref<10112x128xf32, #tpu.memory_space<vmem_shared>>) offsets(%arg8 : memref<128xi32, #tpu.memory_space<vmem>>) semaphore(%run_scoped3A : memref<!tpu.dma_semaphore, #tpu.memory_space<semaphore_mem>>) {add = true}
        %dma_wait3A_28 = arith.constant 0 : i32
        %dma_wait3A_29 = arith.constant 0 : i32
        %dma_wait3A_30 = tpu.memref_slice %arg10[%dma_wait3A_28, %dma_wait3A_29] : memref<10112x128xf32, #tpu.memory_space<vmem_shared>> -> memref<10112x128xf32, #tpu.memory_space<vmem_shared>>
        tpu.wait_indirect_dma semaphore(%run_scoped3A : memref<!tpu.dma_semaphore, #tpu.memory_space<semaphore_mem>>) src(%arg9 : memref<128x128xf32, #tpu.memory_space<vmem>>) dst(%dma_wait3A_30 : memref<10112x128xf32, #tpu.memory_space<vmem_shared>>)
        tpu.yield
      }) : () -> ()
    }
    %scan3A_11 = arith.constant 79 : i32
    %barrier3A_12 = arith.constant 0 : index
    tpu.barrier barrier_id(%barrier3A_12)
    %mul3A_13 = arith.constant 632 : i32
    %mul3A_14 = arith.muli %arg1, %mul3A_13 : i32
    %mul3A_15 = arith.constant 632 : i32
    %mul3A_16 = arith.muli %arg1, %mul3A_15 : i32
    "tpu.region"() ({
      %run_scoped3A = tpu.sem_alloc : memref<!tpu.dma_semaphore, #tpu.memory_space<semaphore_mem>>
      %dma_start3A = arith.constant 0 : i32
      %dma_start3A_17 = tpu.memref_slice %arg6[%arg0, %mul3A_16, %dma_start3A] : memref<2x10112x128xf32, #tpu.memory_space<hbm>> -> memref<1x632x128xf32, #tpu.memory_space<hbm>>
      %dma_start3A_18 = tpu.memref_squeeze %dma_start3A_17 : memref<1x632x128xf32, #tpu.memory_space<hbm>> -> memref<632x128xf32, #tpu.memory_space<hbm>>
      %dma_start3A_19 = arith.constant 0 : i32
      %dma_start3A_20 = tpu.memref_slice %arg10[%mul3A_14, %dma_start3A_19] : memref<10112x128xf32, #tpu.memory_space<vmem_shared>> -> memref<632x128xf32, #tpu.memory_space<vmem_shared>>
      tpu.enqueue_dma source(%dma_start3A_20 : memref<632x128xf32, #tpu.memory_space<vmem_shared>>) target(%dma_start3A_18 : memref<632x128xf32, #tpu.memory_space<hbm>>) target_semaphore(%run_scoped3A : memref<!tpu.dma_semaphore, #tpu.memory_space<semaphore_mem>>)
      %dma_wait3A = arith.constant 0 : i32
      %dma_wait3A_21 = tpu.memref_slice %arg6[%arg0, %mul3A_16, %dma_wait3A] : memref<2x10112x128xf32, #tpu.memory_space<hbm>> -> memref<1x632x128xf32, #tpu.memory_space<hbm>>
      %dma_wait3A_22 = tpu.memref_squeeze %dma_wait3A_21 : memref<1x632x128xf32, #tpu.memory_space<hbm>> -> memref<632x128xf32, #tpu.memory_space<hbm>>
      %dma_wait3A_23 = arith.constant 0 : i32
      %dma_wait3A_24 = tpu.memref_slice %arg10[%mul3A_14, %dma_wait3A_23] : memref<10112x128xf32, #tpu.memory_space<vmem_shared>> -> memref<632x128xf32, #tpu.memory_space<vmem_shared>>
      tpu.wait_dma2 semaphore(%run_scoped3A : memref<!tpu.dma_semaphore, #tpu.memory_space<semaphore_mem>>) src(%dma_wait3A_24 : memref<632x128xf32, #tpu.memory_space<vmem_shared>>) dst(%dma_wait3A_22 : memref<632x128xf32, #tpu.memory_space<hbm>>)
      tpu.yield
    }) : () -> ()
    return
  }
}

module attributes {stable_mosaic.version = 14 : i64} {
  func.func @_tc1_body(%arg0: memref<2x10112x128xf32, #tpu.memory_space<vmem>>, %arg1: memref<10000x136xf32, #tpu.memory_space<vmem>>, %arg2: memref<136x128xf32, #tpu.memory_space<vmem>>, %arg3: memref<10112x128xf32, #tpu.memory_space<vmem>>, %arg4: memref<10000x1xf32, #tpu.memory_space<vmem>>) attributes {dimension_semantics = [], scalar_prefetch = 0 : i64, scratch_operands = 0 : i64, tpu.core_type = #tpu.core_type<tc>} {
    %get3A = arith.constant 0 : index
    %get3A_0 = arith.constant 0 : index
    %get3A_1 = arith.constant 0 : index
    %get3A_2 = vector.load %arg0[%get3A, %get3A_0, %get3A_1] : memref<2x10112x128xf32, #tpu.memory_space<vmem>>, vector<1x10000x1xf32>
    %get3A_3 = vector.shape_cast %get3A_2 : vector<1x10000x1xf32> to vector<10000x1xf32>
    %get3A_4 = arith.constant 1 : index
    %get3A_5 = arith.constant 0 : index
    %get3A_6 = arith.constant 0 : index
    %get3A_7 = vector.load %arg0[%get3A_4, %get3A_5, %get3A_6] : memref<2x10112x128xf32, #tpu.memory_space<vmem>>, vector<1x10000x1xf32>
    %get3A_8 = vector.shape_cast %get3A_7 : vector<1x10000x1xf32> to vector<10000x1xf32>
    %add3A = arith.addf %get3A_3, %get3A_8 : vector<10000x1xf32>
    %add3A_9 = arith.constant 1.000000e+00 : f32
    %add3A_10 = vector.broadcast %add3A_9 : f32 to vector<10000x1xf32>
    %add3A_11 = arith.addf %add3A, %add3A_10 : vector<10000x1xf32>
    %rsqrt3A = math.rsqrt %add3A_11 : vector<10000x1xf32>
    %get3A_12 = arith.constant 0 : index
    %get3A_13 = arith.constant 0 : index
    %get3A_14 = vector.load %arg1[%get3A_12, %get3A_13] : memref<10000x136xf32, #tpu.memory_space<vmem>>, vector<10000x136xf32>
    %get3A_15 = arith.constant 0 : index
    %get3A_16 = arith.constant 0 : index
    %get3A_17 = vector.load %arg2[%get3A_15, %get3A_16] : memref<136x128xf32, #tpu.memory_space<vmem>>, vector<136x128xf32>
    %dot_general3A = arith.constant dense<0.000000e+00> : vector<10000x128xf32>
    %dot_general3A_18 = tpu.matmul %get3A_14, %get3A_17, %dot_general3A {dimension_numbers = #tpu.dot_dimension_numbers<[1], [0], [0], [1], [0, 0, 1, 1], [], []>, transpose_lhs_hint = false} : vector<10000x136xf32>, vector<136x128xf32>, vector<10000x128xf32> -> vector<10000x128xf32>
    %mul3A = vector.broadcast %rsqrt3A : vector<10000x1xf32> to vector<10000x128xf32>
    %mul3A_19 = arith.mulf %dot_general3A_18, %mul3A : vector<10000x128xf32>
    %swap3A = arith.constant 0 : index
    %swap3A_20 = arith.constant 0 : index
    %swap3A_21 = vector.load %arg3[%swap3A, %swap3A_20] : memref<10112x128xf32, #tpu.memory_space<vmem>>, vector<10000x128xf32>
    tpu.vector_store %arg3[%swap3A, %swap3A_20], %mul3A_19 {strides = array<i32>} : memref<10112x128xf32, #tpu.memory_space<vmem>>, vector<10000x128xf32>,
    %broadcast_in_dim3A = arith.constant 0.000000e+00 : f32
    %broadcast_in_dim3A_22 = vector.broadcast %broadcast_in_dim3A : f32 to vector<112x128xf32>
    %swap3A_23 = arith.constant 10000 : index
    %swap3A_24 = arith.constant 0 : index
    %swap3A_25 = vector.load %arg3[%swap3A_23, %swap3A_24] : memref<10112x128xf32, #tpu.memory_space<vmem>>, vector<112x128xf32>
    tpu.vector_store %arg3[%swap3A_23, %swap3A_24], %broadcast_in_dim3A_22 {strides = array<i32>} : memref<10112x128xf32, #tpu.memory_space<vmem>>, vector<112x128xf32>,
    %swap3A_26 = arith.constant 0 : index
    %swap3A_27 = arith.constant 0 : index
    %swap3A_28 = vector.load %arg4[%swap3A_26, %swap3A_27] : memref<10000x1xf32, #tpu.memory_space<vmem>>, vector<10000x1xf32>
    tpu.vector_store %arg4[%swap3A_26, %swap3A_27], %rsqrt3A {strides = array<i32>} : memref<10000x1xf32, #tpu.memory_space<vmem>>, vector<10000x1xf32>,
    return
  }
}

module attributes {stable_mosaic.version = 14 : i64} {
  func.func @_tc2_body(%arg0: memref<2x10112x128xf32, #tpu.memory_space<vmem>>, %arg1: memref<10112x128xf32, #tpu.memory_space<vmem>>, %arg2: memref<10000x1xf32, #tpu.memory_space<vmem>>, %arg3: memref<1x128xf32, #tpu.memory_space<vmem>>, %arg4: memref<128x128xf32, #tpu.memory_space<vmem>>, %arg5: memref<10112x128xf32, #tpu.memory_space<vmem>>) attributes {dimension_semantics = [], scalar_prefetch = 0 : i64, scratch_operands = 0 : i64, tpu.core_type = #tpu.core_type<tc>} {
    %get3A = arith.constant 0 : index
    %get3A_0 = arith.constant 0 : index
    %get3A_1 = vector.load %arg2[%get3A, %get3A_0] : memref<10000x1xf32, #tpu.memory_space<vmem>>, vector<10000x1xf32>
    %get3A_2 = arith.constant 0 : index
    %get3A_3 = arith.constant 0 : index
    %get3A_4 = arith.constant 0 : index
    %get3A_5 = vector.load %arg0[%get3A_2, %get3A_3, %get3A_4] : memref<2x10112x128xf32, #tpu.memory_space<vmem>>, vector<1x10000x128xf32>
    %get3A_6 = vector.shape_cast %get3A_5 : vector<1x10000x128xf32> to vector<10000x128xf32>
    %get3A_7 = arith.constant 1 : index
    %get3A_8 = arith.constant 0 : index
    %get3A_9 = arith.constant 0 : index
    %get3A_10 = vector.load %arg0[%get3A_7, %get3A_8, %get3A_9] : memref<2x10112x128xf32, #tpu.memory_space<vmem>>, vector<1x10000x128xf32>
    %get3A_11 = vector.shape_cast %get3A_10 : vector<1x10000x128xf32> to vector<10000x128xf32>
    %add3A = arith.addf %get3A_6, %get3A_11 : vector<10000x128xf32>
    %get3A_12 = arith.constant 0 : index
    %get3A_13 = arith.constant 0 : index
    %get3A_14 = vector.load %arg1[%get3A_12, %get3A_13] : memref<10112x128xf32, #tpu.memory_space<vmem>>, vector<10000x128xf32>
    %add3A_15 = arith.addf %add3A, %get3A_14 : vector<10000x128xf32>
    %mul3A = vector.broadcast %get3A_1 : vector<10000x1xf32> to vector<10000x128xf32>
    %mul3A_16 = arith.mulf %mul3A, %add3A_15 : vector<10000x128xf32>
    %get3A_17 = arith.constant 0 : index
    %get3A_18 = arith.constant 0 : index
    %get3A_19 = vector.load %arg3[%get3A_17, %get3A_18] : memref<1x128xf32, #tpu.memory_space<vmem>>, vector<1x128xf32>
    %add3A_20 = vector.broadcast %get3A_19 : vector<1x128xf32> to vector<10000x128xf32>
    %add3A_21 = arith.addf %mul3A_16, %add3A_20 : vector<10000x128xf32>
    %max3A = arith.constant 0.000000e+00 : f32
    %max3A_22 = vector.broadcast %max3A : f32 to vector<10000x128xf32>
    %max3A_23 = arith.maximumf %add3A_21, %max3A_22 : vector<10000x128xf32>
    %get3A_24 = arith.constant 0 : index
    %get3A_25 = arith.constant 0 : index
    %get3A_26 = vector.load %arg4[%get3A_24, %get3A_25] : memref<128x128xf32, #tpu.memory_space<vmem>>, vector<128x128xf32>
    %dot_general3A = arith.constant dense<0.000000e+00> : vector<10000x128xf32>
    %dot_general3A_27 = tpu.matmul %max3A_23, %get3A_26, %dot_general3A {dimension_numbers = #tpu.dot_dimension_numbers<[1], [0], [0], [1], [0, 0, 1, 1], [], []>, transpose_lhs_hint = false} : vector<10000x128xf32>, vector<128x128xf32>, vector<10000x128xf32> -> vector<10000x128xf32>
    %mul3A_28 = vector.broadcast %get3A_1 : vector<10000x1xf32> to vector<10000x128xf32>
    %mul3A_29 = arith.mulf %dot_general3A_27, %mul3A_28 : vector<10000x128xf32>
    %swap3A = arith.constant 0 : index
    %swap3A_30 = arith.constant 0 : index
    %swap3A_31 = vector.load %arg5[%swap3A, %swap3A_30] : memref<10112x128xf32, #tpu.memory_space<vmem>>, vector<10000x128xf32>
    tpu.vector_store %arg5[%swap3A, %swap3A_30], %mul3A_29 {strides = array<i32>} : memref<10112x128xf32, #tpu.memory_space<vmem>>, vector<10000x128xf32>,
    %broadcast_in_dim3A = arith.constant 0.000000e+00 : f32
    %broadcast_in_dim3A_32 = vector.broadcast %broadcast_in_dim3A : f32 to vector<112x128xf32>
    %swap3A_33 = arith.constant 10000 : index
    %swap3A_34 = arith.constant 0 : index
    %swap3A_35 = vector.load %arg5[%swap3A_33, %swap3A_34] : memref<10112x128xf32, #tpu.memory_space<vmem>>, vector<112x128xf32>
    tpu.vector_store %arg5[%swap3A_33, %swap3A_34], %broadcast_in_dim3A_32 {strides = array<i32>} : memref<10112x128xf32, #tpu.memory_space<vmem>>, vector<112x128xf32>,
    return
  }
}

module attributes {stable_mosaic.version = 14 : i64} {
  func.func @_tc3_body(%arg0: memref<2x10112x128xf32, #tpu.memory_space<vmem>>, %arg1: memref<10112x128xf32, #tpu.memory_space<vmem>>, %arg2: memref<10000x1xf32, #tpu.memory_space<vmem>>, %arg3: memref<1x128xf32, #tpu.memory_space<vmem>>, %arg4: memref<1x128xf32, #tpu.memory_space<vmem>>, %arg5: memref<1x1xf32, #tpu.memory_space<vmem>>, %arg6: memref<1x10000xi32, #tpu.memory_space<vmem>>, %arg7: memref<128x1xf32, #tpu.memory_space<vmem>>) attributes {dimension_semantics = [], scalar_prefetch = 0 : i64, scratch_operands = 0 : i64, tpu.core_type = #tpu.core_type<tc>} {
    %get3A = arith.constant 0 : index
    %get3A_0 = arith.constant 0 : index
    %get3A_1 = vector.load %arg2[%get3A, %get3A_0] : memref<10000x1xf32, #tpu.memory_space<vmem>>, vector<10000x1xf32>
    %get3A_2 = arith.constant 0 : index
    %get3A_3 = arith.constant 0 : index
    %get3A_4 = arith.constant 0 : index
    %get3A_5 = vector.load %arg0[%get3A_2, %get3A_3, %get3A_4] : memref<2x10112x128xf32, #tpu.memory_space<vmem>>, vector<1x10000x128xf32>
    %get3A_6 = vector.shape_cast %get3A_5 : vector<1x10000x128xf32> to vector<10000x128xf32>
    %get3A_7 = arith.constant 1 : index
    %get3A_8 = arith.constant 0 : index
    %get3A_9 = arith.constant 0 : index
    %get3A_10 = vector.load %arg0[%get3A_7, %get3A_8, %get3A_9] : memref<2x10112x128xf32, #tpu.memory_space<vmem>>, vector<1x10000x128xf32>
    %get3A_11 = vector.shape_cast %get3A_10 : vector<1x10000x128xf32> to vector<10000x128xf32>
    %add3A = arith.addf %get3A_6, %get3A_11 : vector<10000x128xf32>
    %get3A_12 = arith.constant 0 : index
    %get3A_13 = arith.constant 0 : index
    %get3A_14 = vector.load %arg1[%get3A_12, %get3A_13] : memref<10112x128xf32, #tpu.memory_space<vmem>>, vector<10000x128xf32>
    %add3A_15 = arith.addf %add3A, %get3A_14 : vector<10000x128xf32>
    %mul3A = vector.broadcast %get3A_1 : vector<10000x1xf32> to vector<10000x128xf32>
    %mul3A_16 = arith.mulf %mul3A, %add3A_15 : vector<10000x128xf32>
    %get3A_17 = arith.constant 0 : index
    %get3A_18 = arith.constant 0 : index
    %get3A_19 = vector.load %arg3[%get3A_17, %get3A_18] : memref<1x128xf32, #tpu.memory_space<vmem>>, vector<1x128xf32>
    %add3A_20 = vector.broadcast %get3A_19 : vector<1x128xf32> to vector<10000x128xf32>
    %add3A_21 = arith.addf %mul3A_16, %add3A_20 : vector<10000x128xf32>
    %max3A = arith.constant 0.000000e+00 : f32
    %max3A_22 = vector.broadcast %max3A : f32 to vector<10000x128xf32>
    %max3A_23 = arith.maximumf %add3A_21, %max3A_22 : vector<10000x128xf32>
    %get3A_24 = arith.constant 0 : index
    %get3A_25 = arith.constant 0 : index
    %get3A_26 = vector.load %arg4[%get3A_24, %get3A_25] : memref<1x128xf32, #tpu.memory_space<vmem>>, vector<1x128xf32>
    %mul3A_27 = vector.broadcast %get3A_26 : vector<1x128xf32> to vector<10000x128xf32>
    %mul3A_28 = arith.mulf %max3A_23, %mul3A_27 : vector<10000x128xf32>
    %reduce_sum3A = arith.constant dense<0.000000e+00> : vector<10000xf32>
    %reduce_sum3A_29 = vector.multi_reduction <add>, %mul3A_28, %reduce_sum3A [1] : vector<10000x128xf32> to vector<10000xf32>
    %broadcast_in_dim3A = vector.shape_cast %reduce_sum3A_29 : vector<10000xf32> to vector<10000x1xf32>
    %get3A_30 = arith.constant 0 : index
    %get3A_31 = arith.constant 0 : index
    %get3A_32 = vector.load %arg5[%get3A_30, %get3A_31] : memref<1x1xf32, #tpu.memory_space<vmem>>, vector<1x1xf32>
    %get3A_33 = vector.extract %get3A_32[0, 0] : f32 from vector<1x1xf32>
    %add3A_34 = vector.broadcast %get3A_33 : f32 to vector<10000x1xf32>
    %add3A_35 = arith.addf %broadcast_in_dim3A, %add3A_34 : vector<10000x1xf32>
    %iota3A = tpu.iota {dimensions = array<i32: 0>} : vector<128x10000xi32>
    %get3A_36 = arith.constant 0 : index
    %get3A_37 = arith.constant 0 : index
    %get3A_38 = vector.load %arg6[%get3A_36, %get3A_37] : memref<1x10000xi32, #tpu.memory_space<vmem>>, vector<1x10000xi32>
    %eq3A = vector.broadcast %get3A_38 : vector<1x10000xi32> to vector<128x10000xi32>
    %eq3A_39 = arith.cmpi eq, %iota3A, %eq3A : vector<128x10000xi32>
    %convert_element_type3A = arith.extui %eq3A_39 : vector<128x10000xi1> to vector<128x10000xi32>
    %convert_element_type3A_40 = arith.sitofp %convert_element_type3A : vector<128x10000xi32> to vector<128x10000xf32>
    %dot_general3A = arith.constant dense<0.000000e+00> : vector<128x1xf32>
    %dot_general3A_41 = tpu.matmul %convert_element_type3A_40, %add3A_35, %dot_general3A {dimension_numbers = #tpu.dot_dimension_numbers<[1], [0], [0], [1], [0, 0, 1, 1], [], []>, transpose_lhs_hint = false} : vector<128x10000xf32>, vector<10000x1xf32>, vector<128x1xf32> -> vector<128x1xf32>
    %logistic3A = arith.negf %dot_general3A_41 : vector<128x1xf32>
    %logistic3A_42 = math.exp %logistic3A : vector<128x1xf32>
    %logistic3A_43 = arith.constant 1.000000e+00 : f32
    %logistic3A_44 = vector.broadcast %logistic3A_43 : f32 to vector<128x1xf32>
    %logistic3A_45 = arith.addf %logistic3A_44, %logistic3A_42 : vector<128x1xf32>
    %logistic3A_46 = arith.divf %logistic3A_44, %logistic3A_45 : vector<128x1xf32>
    %swap3A = arith.constant 0 : index
    %swap3A_47 = arith.constant 0 : index
    %swap3A_48 = vector.load %arg7[%swap3A, %swap3A_47] : memref<128x1xf32, #tpu.memory_space<vmem>>, vector<128x1xf32>
    tpu.vector_store %arg7[%swap3A, %swap3A_47], %logistic3A_46 {strides = array<i32>} : memref<128x1xf32, #tpu.memory_space<vmem>>, vector<128x1xf32>,
    return
  }
}

</mosaic_0001>

<sc_bundles>
// kernel: kernel.11.cloned.1.call-start
scs
__scs_entry_jumppad:
0x0: {  	(pc) =	sbr.rel $0x88, $3  }
0x1: {  	(tag) =	ssettag $0x0;
	lr =	simm.s32 $0x1  }
0x2: {  	[smem:$0x3F96] =	sst lr;
	_ =	strace $0xD0000000  }
0x3: {  	_ = 	snop  }
0x4: {  	_ = 	snop  }
0x5: {  	_ = 	snop  }
0x6: {  	_ = 	snop  }
0x7: {  	_ = 	snop  }
__scs_overlays_trampoline_lowered:
0x8: {  	[smem:$0x3FA5] =	sst s0  }
0x9: {  	[smem:$0x3FA6] =	sst s1  }
0xa: {  	[smem:$0x3FA7] =	sst s2  }
0xb: {  	[smem:$0x3FA8] =	sst s3  }
0xc: {  	[smem:$0x3FA9] =	sst s4  }
0xd: {  	[smem:$0x3FAA] =	sst s5  }
0xe: {  	[smem:$0x3FAB] =	sst s6  }
0xf: {  	[smem:$0x3FAC] =	sst s7  }
0x10: {  	[smem:$0x3FAD] =	sst s8  }
0x11: {  	[smem:$0x3FAE] =	sst s9;
	s0 =	simm.s32 @!p0 $0x0  }
0x12: {  	s1 =	sld [smem:$0x3F94];
	s0 =	simm.s32 @p0 $0x1  }
0x13: {  	[smem:$0x3FAF] =	sst s0;
	s0 =	simm.s32 @!p1 $0x0  }
0x14: {  	s2 =	sld [smem:$0x3F93];
	s0 =	simm.s32 @p1 $0x1  }
0x15: {  	[smem:$0x3FB0] =	sst s0;
	s0 =	simm.s32 @!p2 $0x0  }
0x16: {  	s3 =	sld [smem:$0x3FDB];
	s0 =	simm.s32 @p2 $0x1  }
0x17: {  	s4 =	simm.s32 $0x1BF5;
	[smem:$0x3FB2] =	sst s0  }
0x18: {  	s0 =	sld [smem:$0x3F95];
	_ =	swait.ge [sflag:s4], $0x0  }
0x19: {  	s7 =	sld [smem:$0x3F96]  }
0x1a: {  	s8 =	sadd.s32 $0xFFFFE003, lr  }
0x1b: {  	s9 =	sadd.s32 $0xFFFFFEF7, lr;
	s5 =	simm.s32 $0xFFFFFFFF;
	p2 =	slt.u32 s8, $0xFFFFF086  }
0x1c: {  	p1 =	slt.u32 s9, $0xF7A;
	s5 =	simm.s32 @!p2 $0x0  }
0x1d: {  	s5 =	simm.s32 @p1 $0x1;
	p0 =	seq.s32 s7, s2  }
0x1e: {  	s7 =	smul.u32 @!p0 $0xF7A, s2;
	p2 =	seq.s32 @!p0 s5, $0x0  }
0x1f: {  	s9 =	smul.u32 $0xF7A, s1;
	s8 =	simm.s32 @!p0 $0x1BF5;
	p2 =	por !p2, p0  }
0x20: {  	[sflag:s8] =	ssyncset.s32 @!p0 $0xFFFFF086;
	s6 =	sadd.s32 @!p0 s3, s7;
	s7 =	simm.s32 @!p0 $0x108  }
0x21: {  	s3 =	sadd.s32 s3, s9;
	s6 =	sadd.s32 @!p0 $0x88, s6;
	s7 =	simm.s32 @p2 $0x1082  }
0x22: {  	[simem:s7], [sflag:s8] =	dma.local @!p0 [hbm:s6], $0xF7A  }
0x23: {  	s9 =	sor.u32 $0xD0000000, s2;
	s6 =	simm.s32 $0x108;
	_ =	swait.ge @!p0 [sflag:s8], $0x0  }
0x24: {  	s3 =	sadd.s32 $0x88, s3;
	s6 =	simm.s32 @!p1 $0x1082;
	[sflag:s4] =	ssyncset.s32 $0xFFFFF086  }
0x25: {  	[simem:s6], [sflag:s4] =	dma.local [hbm:s3], $0xF7A  }
0x26: {  	[smem:$0x3F96] =	sst s1;
	(tag) =	ssettag s2;
	_ =	strace s9  }
0x27: {  	s1 =	sld [smem:$0x3FA6]  }
0x28: {  	s2 =	sld [smem:$0x3FA7]  }
0x29: {  	s4 =	sld [smem:$0x3FA9]  }
0x2a: {  	p0 =	seq.s32 s5, $0x0;
	s5 =	sld [smem:$0x3FAA]  }
0x2b: {  	s6 =	sld [smem:$0x3FAB]  }
0x2c: {  	s7 =	sld [smem:$0x3FAC]  }
0x2d: {  	s3 =	simm.s32 $0x108;
	s8 =	sld [smem:$0x3FAD]  }
0x2e: {  	s3 =	simm.s32 @!p0 $0x1082;
	s9 =	sld [smem:$0x3FAE]  }
0x2f: {  	lr =	sadd.s32 s0, s3;
	s0 =	sld [smem:$0x3FA5]  }
0x30: {  	s3 =	sld [smem:$0x3FA8]  }
0x31: {  	[smem:$0x3FB1] =	sst s10  }
0x32: {  	s10 =	sld [smem:$0x3FAF];
	_ =	sdelay $0x3  }
0x33: {  	p0 =	seq.s32 s10, $0x1;
	s10 =	sld [smem:$0x3FB1];
	_ =	sdelay $0x3  }
0x34: {  	[smem:$0x3FB1] =	sst s10  }
0x35: {  	s10 =	sld [smem:$0x3FB0];
	_ =	sdelay $0x3  }
0x36: {  	p1 =	seq.s32 s10, $0x1;
	s10 =	sld [smem:$0x3FB1];
	_ =	sdelay $0x3  }
0x37: {  	[smem:$0x3FB1] =	sst s10  }
0x38: {  	s10 =	sld [smem:$0x3FB2]  }
0x39: {  	_ = 	snop;
	(pc) =	sbr.ind lr, $3  }
0x3a: {  	_ = 	snop  }
0x3b: {  	_ = 	snop  }
0x3c: {  	p2 =	seq.s32 s10, $0x1;
	s10 =	sld [smem:$0x3FB1]  }
0x3d: {  	_ =	shalt  }
0x3e: {  	_ =	shalt  }
0x3f: {  	_ =	shalt  }
0x40: {  	_ =	shalt  }
0x41: {  	_ =	shalt  }
0x42: {  	_ =	shalt  }
0x43: {  	_ =	shalt  }
0x44: {  	_ =	shalt  }
0x45: {  	_ =	shalt  }
0x46: {  	_ =	shalt  }
0x47: {  	_ =	shalt  }
0x48: {  	_ =	shalt  }
0x49: {  	_ =	shalt  }
0x4a: {  	_ =	shalt  }
0x4b: {  	_ =	shalt  }
0x4c: {  	_ =	shalt  }
0x4d: {  	_ =	shalt  }
0x4e: {  	_ =	shalt  }
0x4f: {  	_ =	shalt  }
0x50: {  	_ =	shalt  }
0x51: {  	_ =	shalt  }
0x52: {  	_ =	shalt  }
0x53: {  	_ =	shalt  }
0x54: {  	_ =	shalt  }
0x55: {  	_ =	shalt  }
0x56: {  	_ =	shalt  }
0x57: {  	_ =	shalt  }
0x58: {  	_ =	shalt  }
0x59: {  	_ =	shalt  }
0x5a: {  	_ =	shalt  }
0x5b: {  	_ =	shalt  }
0x5c: {  	_ =	shalt  }
0x5d: {  	_ =	shalt  }
0x5e: {  	_ =	shalt  }
0x5f: {  	_ =	shalt  }
0x60: {  	_ =	shalt  }
0x61: {  	_ =	shalt  }
0x62: {  	_ =	shalt  }
0x63: {  	_ =	shalt  }
0x64: {  	_ =	shalt  }
0x65: {  	_ =	shalt  }
0x66: {  	_ =	shalt  }
0x67: {  	_ =	shalt  }
0x68: {  	_ =	shalt  }
0x69: {  	_ =	shalt  }
0x6a: {  	_ =	shalt  }
0x6b: {  	_ =	shalt  }
0x6c: {  	_ =	shalt  }
0x6d: {  	_ =	shalt  }
0x6e: {  	_ =	shalt  }
0x6f: {  	_ =	shalt  }
0x70: {  	_ =	shalt  }
0x71: {  	_ =	shalt  }
0x72: {  	_ =	shalt  }
0x73: {  	_ =	shalt  }
0x74: {  	_ =	shalt  }
0x75: {  	_ =	shalt  }
0x76: {  	_ =	shalt  }
0x77: {  	_ =	shalt  }
0x78: {  	_ =	shalt  }
0x79: {  	_ =	shalt  }
0x7a: {  	_ =	shalt  }
0x7b: {  	_ =	shalt  }
0x7c: {  	_ =	shalt  }
0x7d: {  	_ =	shalt  }
0x7e: {  	_ =	shalt  }
0x7f: {  	_ =	shalt  }
0x80: {  	_ =	shalt  }
0x81: {  	_ =	shalt  }
0x82: {  	_ =	shalt  }
0x83: {  	_ =	shalt  }
0x84: {  	_ =	shalt  }
0x85: {  	_ =	shalt  }
0x86: {  	_ =	shalt  }
0x87: {  	_ =	shalt  }
.Lfunc_end0:
.L_simem_size_0:
called_computation.1_lowered:
.L_overlay_start_0:
0x88: {  	s2 =	sld [smem:$0x3FD9]  }
0x89: {  	s3 =	sld [smem:$0x3FFE];
	_ =	sdelay $0x1  }
0x8a: {  	s1 =	srdreg.scid  }
0x8b: {  	s0 =	sand.u32 $0x1, s1  }
0x8c: {  	s16 =	sshll.u32 s0, $0xA;
	s2 =	sadd.s32 s3, s2  }
0x8d: {  	s2 =	sadd.s32 s2, s16  }
0x8e: {  	[smem:$0x3FBD] =	sst s2  }
0x8f: {  	_ = 	snop  }
0x90: {  	(tm) =	ssettm $0x1  }
0x91: {  	s17 =	sld [smem:$0x3FFB];
	_ =	sdelay $0x3  }
0x92: {  	_ =	strace s17  }
0x93: {  	s2 =	sld [smem:$0x3FFC];
	_ =	sdelay $0x3  }
0x94: {  	_ =	strace s2  }
0x95: {  	s2 =	sld [smem:$0x3FFD];
	_ =	sdelay $0x3  }
0x96: {  	_ =	strace s2  }
0x97: {  	_ =	strace $0x8FFFFFFF  }
0x98: {  	s18 =	sld [smem:$0x3FDB];
	_ =	sdelay $0x1  }
0x99: {  	s19 =	simm.s32 $_scs_section_size  }
0x9a: {  	s4 =	simm.s32 $_size__tile_overlayer_lowered;
	s5 =	simm.s32 $_tile_overlayer_lowered  }
0x9b: {  	s22 =	simm.s32 $0x1BFF;
	s21 =	sshll.u32 s5, $0x1;
	s2 =	sadd.s32 s19, s18  }
0x9c: {  	s6 =	simm.s32 $0x0;
	s20 =	sshll.u32 s4, $0x1;
	s4 =	sadd.s32 s21, s2  }
0x9d: {  	[timem:s6], [sflag:s22] =	dma.local [hbm:s4], s20  }
0x9e: {  	_ =	swait.ge [sflag:s22], s20  }
0x9f: {  	s3 =	ssub.s32 $0x0, s20;
	[sflag:s22] =	ssyncset.done $0x0  }
0xa0: {  	[sflag:s22] =	ssyncadd.s32 s3;
	_ =	sdelay $0x1  }
0xa1: {  	s23 =	simm.s32 $0x1B8B  }
0xa2: {  	_ =	swait.ge [sflag:s23], $0x1  }
0xa3: {  	[sflag:s23] =	ssyncset.done $0x0  }
0xa4: {  	s25 =	simm.s32 $0x1B8E;
	s24 =	sld [smem:$0x3FFE];
	[sflag:s23] =	ssyncadd.s32 $0xFFFFFFFF  }
0xa5: {  	s26 =	simm.s32 $execute0_lowered;
	[smem:$0x3FD2] =	sst s25  }
0xa6: {  	s4 =	sshll.u32 s26, $0x1;
	_ =	strace $0x80000049;
	[dreg:$0x1] =	wrdreg $0xFFFFFFFF  }
0xa7: {  	s28 =	simm.s32 $_size_execute0_lowered;
	s2 =	sadd.s32 s2, s4;
	[dreg:$0x0] =	wrdreg $0x0  }
0xa8: {  	s4 =	sshll.u32 s28, $0x1;
	[dreg:$0x2] =	wrdreg s2  }
0xa9: {  	[dreg:$0x3] =	wrdreg s4  }
0xaa: {  	[dreg:$0x4] =	wrdreg $0xC0  }
0xab: {  	_ =	task [dreg:s6], $0x5FFFF  }
0xac: {  	[dreg:$0x1] =	wrdreg $0xFFFFFFFF  }
0xad: {  	[dreg:$0x0] =	wrdreg $0x60  }
0xae: {  	[dreg:$0x2] =	wrdreg s24  }
0xaf: {  	[dreg:$0x3] =	wrdreg $0x41000  }
0xb0: {  	[dreg:$0x4] =	wrdreg $0x9  }
0xb1: {  	_ =	task.clear_ibuf [dreg:s6], $0x5FFFF;
	_ =	strace $0x90000049  }
0xb2: {  	s29 =	simm.s32 $0x9;
	_ =	strace $0x8000004B  }
0xb3: {  	_ =	swait.ge [sflag:s29], $0x1  }
0xb4: {  	[sflag:s29] =	ssyncadd.s32 $0xFFFFFFFF  }
0xb5: {  	_ =	strace $0x9000004B  }
0xb6: {  	_ =	sfence  }
0xb7: {  	s30 =	sld [smem:$0x0];
	_ =	sdelay $0x2  }
0xb8: {  	s31 =	sshll.u32 s1, $0xD;
	s1 =	sshrl.u32 s1, $0x2  }
0xb9: {  	s3 =	sand.u32 $0x4000, s31;
	s1 =	sadd.s32 s1, s30  }
0xba: {  	s0 =	sor.u32 s3, s0;
	s1 =	sshll.u32 s1, $0x11  }
0xbb: {  	s0 =	sor.u32 s1, s0  }
0xbc: {  	s0 =	sadd.s32 $0x8F2B, s0  }
0xbd: {  	[sflag:s0] =	ssyncadd.remote.s32 $0x1  }
0xbe: {  	_ =	sfence.sel $0xFFFF  }
0xbf: {  	[dreg:$0x0] =	wrdreg $0xFFFFFFFF;
	(pc) =	sbr.abs _section_cstart, $3  }
0xc0: {  	[dreg:$0x1] =	wrdreg $0xFFFFFFFF  }
0xc1: {  	_ =	task.clear_ibuf [dreg:s6], $0x2FFFF;
	_ =	strace $0x9FFFFFFF  }
0xc2: {  	(tm) =	ssettm $0x7FFFFFFF  }
0xc3: {  	_ =	shalt  }
tec
execute0_lowered:
.L_overlay_start_1:
0x0: {  	(tag) =	ssettag $0x1  }
0x1: {  	s5 =	rddreg [dreg:$0x0]  }
0x2: {  	s2 =	rddreg [dreg:$0x1]  }
0x3: {  	s0 =	rddreg [dreg:$0x2];
	s1 =	stileid.u32  }
0x4: {  	s4 =	srdreg.scid;
	s3 =	simm.s32 $0x0;
	s12 =	simm.s32 $0x2  }
0x5: {  	s13 =	simm.s32 $0x80;
	s14 =	simm.s32 $0x100;
	s6 =	smul.u32 $0x9E0, s1  }
0x6: {  	s15 =	simm.s32 $0x1;
	s16 =	simm.s32 $0x0;
	s7 =	smul.u32 $0x13C00, s1  }
0x7: {  	s8 =	sand.u32 $0x1, s4;
	[smem:$0x7FF] =	sst s3;
	s11 =	smul.u32 $0x4F000, s1  }
0x8: {  	s4 =	sadd.s32 $0x33A00, s5;
	s31 =	sshll.u32 s1, $0x6;
	s9 =	smul.u32 $0x13C000, s8  }
0x9: {  	_ =	strace $0x8000004A;
	s28 =	ssub.s32 $0x2, s8;
	s8 =	smul.u32 $0x4F0, s8  }
0xa: {  	s10 =	sadd.s32 s6, s5;
	s26 =	sshrl.u32 s7, $0x3;
	s29 =	sshrl.u32 s28, $0x1  }
0xb: {  	s30 =	sshrl.u32 s11, $0x2;
	s7 =	sadd.s32 s7, s9;
	s6 =	sadd.s32 s26, s5  }
0xc: {  	s9 =	ssub.s32 s28, s29;
	s11 =	sadd.s32 s30, s2;
	s10 =	sadd.s32 s8, s10  }
0xd: {  	s7 =	sshrl.u32 s7, $0x3;
	s8 =	smax.u32 s9, $0x1;
	s9 =	sadd.s32 $0x2400, s10  }
0xe: {  	s10 =	sadd.s32 $0x83200, s10;
	s11 =	sshrl.u32 s11, $0x3;
	s7 =	sadd.s32 s7, s5  }
0xf: {  	s5 =	sadd.s32 $0xC200, s6;
	s6 =	sor.u32 $0x1C02, s31;
	s7 =	sadd.s32 $0x8D000, s7  }
.LBB2_1:
0x10: {  	[spmem:s11], [sflag:s6] =	dma.local [hbm:s5], $0x2780  }
0x11: {  	_ =	swait.ge [sflag:s12], $0x2780  }
0x12: {  	[sflag:s12] =	ssyncset.done $0x0  }
0x13: {  	[sflag:s12] =	ssyncadd.s32 $0xFFFFD880  }
0x14: {  	s17 =	sadd.s32 $0x0, s10;
	[bflag:$0x0] =	sbarrier.arrive $0xFFFF  }
0x15: {  	[tilespmem:s3], [sflag:$0x2] =	stream.linear.gather [hbm4b:s17+s3], $0x80, $0x38;
	[tilespmem:$0x17D00] =	vst v63  }
0x16: {  	_ =	swait.ge [sflag:s12], $0x80  }
0x17: {  	[sflag:s12] =	ssyncset.done $0x0  }
0x18: {  	s31 =	sadd.s32 $0x0, s9;
	[sflag:s12] =	ssyncadd.s32 $0xFFFFFF80  }
0x19: {  	[tilespmem:s13], [sflag:$0x2] =	stream.linear.gather [hbm4b:s31+s3], $0x80, $0x38;
	[tilespmem:$0x17D00] =	vst v63  }
0x1a: {  	_ =	swait.ge [sflag:s12], $0x80  }
0x1b: {  	[sflag:s12] =	ssyncset.done $0x0  }
0x1c: {  	[sflag:s12] =	ssyncadd.s32 $0xFFFFFF80  }
0x1d: {  	[tilespmem:s14], [sflag:$0x1] =	stream.indirect.gather [hbm4b:s4+s13], $0x80, s3, s13, $0xb8;
	[tilespmem:$0x17D00] =	vst v63  }
0x1e: {  	_ =	swait.ge [sflag:s15], $0x4000  }
0x1f: {  	[sflag:s15] =	ssyncset.done $0x0  }
0x20: {  	[sflag:s15] =	ssyncadd.s32 $0xFFFFC000  }
0x21: {  	[spmem:s2] =	stream.indirect.scatter.add.f32 [tilespmem:s14], [sflag:$0x2], $0x80, s13, s13, $0xb8;
	[tilespmem:$0x17D00] =	vst v63  }
0x22: {  	_ =	swait.ge [sflag:s12], $0x4000  }
0x23: {  	s18 =	simm.s32 $0x20;
	s17 =	simm.s32 $0x10;
	[sflag:s12] =	ssyncset.done $0x0  }
.LBB2_2:
0x24: {  	s19 =	sadd.s32 s17, s10  }
0x25: {  	[sflag:s12] =	ssyncadd.s32 $0xFFFFC000;
	s20 =	smov.u32 s18;
	s21 =	sadd.s32 $0x10, s18  }
0x26: {  	[tilespmem:s3], [sflag:$0x2] =	stream.linear.gather [hbm4b:s19+s3], $0x80, $0x38;
	[tilespmem:$0x17D00] =	vst v63  }
0x27: {  	p0 =	sne.s32 s18, $0x4E0;
	_ =	swait.ge [sflag:s12], $0x80  }
0x28: {  	[sflag:s12] =	ssyncset.done $0x0  }
0x29: {  	s18 =	sadd.s32 s17, s9;
	s17 =	smov.u32 s20;
	[sflag:s12] =	ssyncadd.s32 $0xFFFFFF80  }
0x2a: {  	[tilespmem:s13], [sflag:$0x2] =	stream.linear.gather [hbm4b:s18+s3], $0x80, $0x38;
	[tilespmem:$0x17D00] =	vst v63  }
0x2b: {  	_ =	swait.ge [sflag:s12], $0x80  }
0x2c: {  	[sflag:s12] =	ssyncset.done $0x0  }
0x2d: {  	[sflag:s12] =	ssyncadd.s32 $0xFFFFFF80  }
0x2e: {  	[tilespmem:s14], [sflag:$0x1] =	stream.indirect.gather [hbm4b:s4+s13], $0x80, s3, s13, $0xb8;
	[tilespmem:$0x17D00] =	vst v63  }
0x2f: {  	_ =	swait.ge [sflag:s15], $0x4000  }
.Ltmp0:
0x30: {  	[sflag:s15] =	ssyncset.done $0x0;
	(pc) =	sbr.rel @p0 .LBB2_2-.Ltmp0, $4  }
0x31: {  	[sflag:s15] =	ssyncadd.s32 $0xFFFFC000  }
0x32: {  	[spmem:s2] =	stream.indirect.scatter.add.f32 [tilespmem:s14], [sflag:$0x2], $0x80, s13, s13, $0xb8;
	[tilespmem:$0x17D00] =	vst v63  }
0x33: {  	_ =	swait.ge [sflag:s12], $0x4000  }
0x34: {  	s18 =	smov.u32 s21;
	[sflag:s12] =	ssyncset.done $0x0  }
0x35: {  	s18 =	sadd.s32 s17, s10;
	[sflag:s12] =	ssyncadd.s32 $0xFFFFC000  }
0x36: {  	[tilespmem:s3], [sflag:$0x2] =	stream.linear.gather [hbm4b:s18+s3], $0x80, $0x38;
	[tilespmem:$0x17D00] =	vst v63  }
0x37: {  	_ =	swait.ge [sflag:s12], $0x80  }
0x38: {  	[sflag:s12] =	ssyncset.done $0x0  }
0x39: {  	s31 =	sadd.s32 s17, s9;
	[sflag:s12] =	ssyncadd.s32 $0xFFFFFF80  }
0x3a: {  	[tilespmem:s13], [sflag:$0x2] =	stream.linear.gather [hbm4b:s31+s3], $0x80, $0x38;
	[tilespmem:$0x17D00] =	vst v63  }
0x3b: {  	_ =	swait.ge [sflag:s12], $0x80  }
0x3c: {  	[sflag:s12] =	ssyncset.done $0x0  }
0x3d: {  	[sflag:s12] =	ssyncadd.s32 $0xFFFFFF80  }
0x3e: {  	[tilespmem:s14], [sflag:$0x1] =	stream.indirect.gather [hbm4b:s4+s13], $0x80, s3, s13, $0xb8;
	[tilespmem:$0x17D00] =	vst v63  }
0x3f: {  	_ =	swait.ge [sflag:s15], $0x4000  }
0x40: {  	[sflag:s15] =	ssyncset.done $0x0  }
0x41: {  	[sflag:s15] =	ssyncadd.s32 $0xFFFFC000  }
0x42: {  	[spmem:s2] =	stream.indirect.scatter.add.f32 [tilespmem:s14], [sflag:$0x2], $0x80, s13, s13, $0xb8;
	[tilespmem:$0x17D00] =	vst v63  }
0x43: {  	_ =	swait.ge [sflag:s12], $0x4000  }
0x44: {  	s16 =	sadd.s32 $0x1, s16;
	[sflag:s12] =	ssyncset.done $0x0  }
0x45: {  	p0 =	sne.s32 s16, s8;
	[sflag:s12] =	ssyncadd.s32 $0xFFFFC000  }
.Ltmp1:
0x46: {  	[bflag:$0x0] =	sbarrier.arrive $0xFFFF;
	(pc) =	sbr.rel @p0 .LBB2_1-.Ltmp1, $4  }
0x47: {  	[hbm:s7], [sflag:s6] =	dma.local [spmem:s11], $0x2780  }
0x48: {  	_ =	swait.ge [sflag:s12], $0x2780  }
0x49: {  	[sflag:s12] =	ssyncset.done $0x0  }
0x4a: {  	[sflag:s12] =	ssyncadd.s32 $0xFFFFD880  }
0x4b: {  	_ =	sfence.sel $0x180000  }
0x4c: {  	[bflag:$0x0] =	sbarrier.arrive $0xFFFF  }
0x4d: {  	p0 =	sne.s32 s1, $0x0;
	_ =	strace $0x9000004A  }
0x4e: {  	s0 =	sadd.s32 @!p0 $0x100000, s0;
	[bflag:$0x2] =	sbarrier.arrive $0xFFFF  }
0x4f: {  	[sflag:s0] =	ssyncadd.tile.s32 @!p0 $0x1;
	_ =	shalt  }
.Lfunc_end2:
_tile_overlayer_lowered:
.L_overlay_start_2:
0x50: {  	(tag) =	ssettag $0x2  }
0x51: {  	s0 =	rddreg [dreg:$0x0];
	s2 =	stileid.u32  }
0x52: {  	s1 =	rddreg [dreg:$0x1];
	p0 =	sne.s32 s2, $0x0  }
0x53: {  	s3 =	rddreg [dreg:$0x2];
	[bflag:$0x3] =	sbarrier.arrive $0xFFFF;
	s2 =	simm.s32 @!p0 $0x1C02  }
0x54: {  	[timem:s3], [sflag:s2] =	dma.local @!p0 [hbm:s0], s1  }
0x55: {  	s0 =	simm.s32 @!p0 $0x2  }
0x56: {  	_ =	swait.ge @!p0 [sflag:s0], s1  }
0x57: {  	s1 =	ssub.s32 @!p0 $0x0, s1;
	[sflag:s0] =	ssyncset.done @!p0 $0x0  }
0x58: {  	[sflag:s0] =	ssyncadd.s32 @!p0 s1  }
0x59: {  	[bflag:$0x3] =	sbarrier.arrive $0xFFFF  }
0x5a: {  	_ =	shalt  }

// kernel: kernel.14.cloned.1.call-start
scs
__scs_entry_jumppad:
0x0: {  	(pc) =	sbr.rel $0x88, $3  }
0x1: {  	(tag) =	ssettag $0x0;
	lr =	simm.s32 $0x1  }
0x2: {  	[smem:$0x3F96] =	sst lr;
	_ =	strace $0xD0000000  }
0x3: {  	_ = 	snop  }
0x4: {  	_ = 	snop  }
0x5: {  	_ = 	snop  }
0x6: {  	_ = 	snop  }
0x7: {  	_ = 	snop  }
__scs_overlays_trampoline_lowered:
0x8: {  	[smem:$0x3FA5] =	sst s0  }
0x9: {  	[smem:$0x3FA6] =	sst s1  }
0xa: {  	[smem:$0x3FA7] =	sst s2  }
0xb: {  	[smem:$0x3FA8] =	sst s3  }
0xc: {  	[smem:$0x3FA9] =	sst s4  }
0xd: {  	[smem:$0x3FAA] =	sst s5  }
0xe: {  	[smem:$0x3FAB] =	sst s6  }
0xf: {  	[smem:$0x3FAC] =	sst s7  }
0x10: {  	[smem:$0x3FAD] =	sst s8  }
0x11: {  	[smem:$0x3FAE] =	sst s9;
	s0 =	simm.s32 @!p0 $0x0  }
0x12: {  	s1 =	sld [smem:$0x3F94];
	s0 =	simm.s32 @p0 $0x1  }
0x13: {  	[smem:$0x3FAF] =	sst s0;
	s0 =	simm.s32 @!p1 $0x0  }
0x14: {  	s2 =	sld [smem:$0x3F93];
	s0 =	simm.s32 @p1 $0x1  }
0x15: {  	[smem:$0x3FB0] =	sst s0;
	s0 =	simm.s32 @!p2 $0x0  }
0x16: {  	s3 =	sld [smem:$0x3FDB];
	s0 =	simm.s32 @p2 $0x1  }
0x17: {  	s4 =	simm.s32 $0x1BF5;
	[smem:$0x3FB2] =	sst s0  }
0x18: {  	s0 =	sld [smem:$0x3F95];
	_ =	swait.ge [sflag:s4], $0x0  }
0x19: {  	s7 =	sld [smem:$0x3F96]  }
0x1a: {  	s8 =	sadd.s32 $0xFFFFE003, lr  }
0x1b: {  	s9 =	sadd.s32 $0xFFFFFEF7, lr;
	s5 =	simm.s32 $0xFFFFFFFF;
	p2 =	slt.u32 s8, $0xFFFFF086  }
0x1c: {  	p1 =	slt.u32 s9, $0xF7A;
	s5 =	simm.s32 @!p2 $0x0  }
0x1d: {  	s5 =	simm.s32 @p1 $0x1;
	p0 =	seq.s32 s7, s2  }
0x1e: {  	s7 =	smul.u32 @!p0 $0xF7A, s2;
	p2 =	seq.s32 @!p0 s5, $0x0  }
0x1f: {  	s9 =	smul.u32 $0xF7A, s1;
	s8 =	simm.s32 @!p0 $0x1BF5;
	p2 =	por !p2, p0  }
0x20: {  	[sflag:s8] =	ssyncset.s32 @!p0 $0xFFFFF086;
	s6 =	sadd.s32 @!p0 s3, s7;
	s7 =	simm.s32 @!p0 $0x108  }
0x21: {  	s3 =	sadd.s32 s3, s9;
	s6 =	sadd.s32 @!p0 $0x88, s6;
	s7 =	simm.s32 @p2 $0x1082  }
0x22: {  	[simem:s7], [sflag:s8] =	dma.local @!p0 [hbm:s6], $0xF7A  }
0x23: {  	s9 =	sor.u32 $0xD0000000, s2;
	s6 =	simm.s32 $0x108;
	_ =	swait.ge @!p0 [sflag:s8], $0x0  }
0x24: {  	s3 =	sadd.s32 $0x88, s3;
	s6 =	simm.s32 @!p1 $0x1082;
	[sflag:s4] =	ssyncset.s32 $0xFFFFF086  }
0x25: {  	[simem:s6], [sflag:s4] =	dma.local [hbm:s3], $0xF7A  }
0x26: {  	[smem:$0x3F96] =	sst s1;
	(tag) =	ssettag s2;
	_ =	strace s9  }
0x27: {  	s1 =	sld [smem:$0x3FA6]  }
0x28: {  	s2 =	sld [smem:$0x3FA7]  }
0x29: {  	s4 =	sld [smem:$0x3FA9]  }
0x2a: {  	p0 =	seq.s32 s5, $0x0;
	s5 =	sld [smem:$0x3FAA]  }
0x2b: {  	s6 =	sld [smem:$0x3FAB]  }
0x2c: {  	s7 =	sld [smem:$0x3FAC]  }
0x2d: {  	s3 =	simm.s32 $0x108;
	s8 =	sld [smem:$0x3FAD]  }
0x2e: {  	s3 =	simm.s32 @!p0 $0x1082;
	s9 =	sld [smem:$0x3FAE]  }
0x2f: {  	lr =	sadd.s32 s0, s3;
	s0 =	sld [smem:$0x3FA5]  }
0x30: {  	s3 =	sld [smem:$0x3FA8]  }
0x31: {  	[smem:$0x3FB1] =	sst s10  }
0x32: {  	s10 =	sld [smem:$0x3FAF];
	_ =	sdelay $0x3  }
0x33: {  	p0 =	seq.s32 s10, $0x1;
	s10 =	sld [smem:$0x3FB1];
	_ =	sdelay $0x3  }
0x34: {  	[smem:$0x3FB1] =	sst s10  }
0x35: {  	s10 =	sld [smem:$0x3FB0];
	_ =	sdelay $0x3  }
0x36: {  	p1 =	seq.s32 s10, $0x1;
	s10 =	sld [smem:$0x3FB1];
	_ =	sdelay $0x3  }
0x37: {  	[smem:$0x3FB1] =	sst s10  }
0x38: {  	s10 =	sld [smem:$0x3FB2]  }
0x39: {  	_ = 	snop;
	(pc) =	sbr.ind lr, $3  }
0x3a: {  	_ = 	snop  }
0x3b: {  	_ = 	snop  }
0x3c: {  	p2 =	seq.s32 s10, $0x1;
	s10 =	sld [smem:$0x3FB1]  }
0x3d: {  	_ =	shalt  }
0x3e: {  	_ =	shalt  }
0x3f: {  	_ =	shalt  }
0x40: {  	_ =	shalt  }
0x41: {  	_ =	shalt  }
0x42: {  	_ =	shalt  }
0x43: {  	_ =	shalt  }
0x44: {  	_ =	shalt  }
0x45: {  	_ =	shalt  }
0x46: {  	_ =	shalt  }
0x47: {  	_ =	shalt  }
0x48: {  	_ =	shalt  }
0x49: {  	_ =	shalt  }
0x4a: {  	_ =	shalt  }
0x4b: {  	_ =	shalt  }
0x4c: {  	_ =	shalt  }
0x4d: {  	_ =	shalt  }
0x4e: {  	_ =	shalt  }
0x4f: {  	_ =	shalt  }
0x50: {  	_ =	shalt  }
0x51: {  	_ =	shalt  }
0x52: {  	_ =	shalt  }
0x53: {  	_ =	shalt  }
0x54: {  	_ =	shalt  }
0x55: {  	_ =	shalt  }
0x56: {  	_ =	shalt  }
0x57: {  	_ =	shalt  }
0x58: {  	_ =	shalt  }
0x59: {  	_ =	shalt  }
0x5a: {  	_ =	shalt  }
0x5b: {  	_ =	shalt  }
0x5c: {  	_ =	shalt  }
0x5d: {  	_ =	shalt  }
0x5e: {  	_ =	shalt  }
0x5f: {  	_ =	shalt  }
0x60: {  	_ =	shalt  }
0x61: {  	_ =	shalt  }
0x62: {  	_ =	shalt  }
0x63: {  	_ =	shalt  }
0x64: {  	_ =	shalt  }
0x65: {  	_ =	shalt  }
0x66: {  	_ =	shalt  }
0x67: {  	_ =	shalt  }
0x68: {  	_ =	shalt  }
0x69: {  	_ =	shalt  }
0x6a: {  	_ =	shalt  }
0x6b: {  	_ =	shalt  }
0x6c: {  	_ =	shalt  }
0x6d: {  	_ =	shalt  }
0x6e: {  	_ =	shalt  }
0x6f: {  	_ =	shalt  }
0x70: {  	_ =	shalt  }
0x71: {  	_ =	shalt  }
0x72: {  	_ =	shalt  }
0x73: {  	_ =	shalt  }
0x74: {  	_ =	shalt  }
0x75: {  	_ =	shalt  }
0x76: {  	_ =	shalt  }
0x77: {  	_ =	shalt  }
0x78: {  	_ =	shalt  }
0x79: {  	_ =	shalt  }
0x7a: {  	_ =	shalt  }
0x7b: {  	_ =	shalt  }
0x7c: {  	_ =	shalt  }
0x7d: {  	_ =	shalt  }
0x7e: {  	_ =	shalt  }
0x7f: {  	_ =	shalt  }
0x80: {  	_ =	shalt  }
0x81: {  	_ =	shalt  }
0x82: {  	_ =	shalt  }
0x83: {  	_ =	shalt  }
0x84: {  	_ =	shalt  }
0x85: {  	_ =	shalt  }
0x86: {  	_ =	shalt  }
0x87: {  	_ =	shalt  }
.Lfunc_end0:
.L_simem_size_0:
called_computation.2_lowered:
.L_overlay_start_0:
0x88: {  	s2 =	sld [smem:$0x3FD9]  }
0x89: {  	s3 =	sld [smem:$0x3FFE];
	_ =	sdelay $0x1  }
0x8a: {  	s1 =	srdreg.scid  }
0x8b: {  	s0 =	sand.u32 $0x1, s1  }
0x8c: {  	s16 =	sshll.u32 s0, $0xA;
	s2 =	sadd.s32 s3, s2  }
0x8d: {  	s2 =	sadd.s32 s2, s16  }
0x8e: {  	[smem:$0x3FBD] =	sst s2  }
0x8f: {  	_ = 	snop  }
0x90: {  	(tm) =	ssettm $0x1  }
0x91: {  	s17 =	sld [smem:$0x3FFB];
	_ =	sdelay $0x3  }
0x92: {  	_ =	strace s17  }
0x93: {  	s2 =	sld [smem:$0x3FFC];
	_ =	sdelay $0x3  }
0x94: {  	_ =	strace s2  }
0x95: {  	s2 =	sld [smem:$0x3FFD];
	_ =	sdelay $0x3  }
0x96: {  	_ =	strace s2  }
0x97: {  	_ =	strace $0x8FFFFFFF  }
0x98: {  	s18 =	sld [smem:$0x3FDB];
	_ =	sdelay $0x1  }
0x99: {  	s19 =	simm.s32 $_scs_section_size  }
0x9a: {  	s4 =	simm.s32 $_size__tile_overlayer_lowered;
	s5 =	simm.s32 $_tile_overlayer_lowered  }
0x9b: {  	s22 =	simm.s32 $0x1BFF;
	s21 =	sshll.u32 s5, $0x1;
	s2 =	sadd.s32 s19, s18  }
0x9c: {  	s6 =	simm.s32 $0x0;
	s20 =	sshll.u32 s4, $0x1;
	s4 =	sadd.s32 s21, s2  }
0x9d: {  	[timem:s6], [sflag:s22] =	dma.local [hbm:s4], s20  }
0x9e: {  	_ =	swait.ge [sflag:s22], s20  }
0x9f: {  	s3 =	ssub.s32 $0x0, s20;
	[sflag:s22] =	ssyncset.done $0x0  }
0xa0: {  	[sflag:s22] =	ssyncadd.s32 s3;
	_ =	sdelay $0x1  }
0xa1: {  	s23 =	simm.s32 $0x1B8B  }
0xa2: {  	_ =	swait.ge [sflag:s23], $0x1  }
0xa3: {  	[sflag:s23] =	ssyncset.done $0x0  }
0xa4: {  	s25 =	simm.s32 $0x1B8E;
	s24 =	sld [smem:$0x3FFE];
	[sflag:s23] =	ssyncadd.s32 $0xFFFFFFFF  }
0xa5: {  	s26 =	simm.s32 $execute0_lowered;
	[smem:$0x3FD2] =	sst s25  }
0xa6: {  	s4 =	sshll.u32 s26, $0x1;
	_ =	strace $0x8000004C;
	[dreg:$0x1] =	wrdreg $0xFFFFFFFF  }
0xa7: {  	s28 =	simm.s32 $_size_execute0_lowered;
	s2 =	sadd.s32 s2, s4;
	[dreg:$0x0] =	wrdreg $0x0  }
0xa8: {  	s4 =	sshll.u32 s28, $0x1;
	[dreg:$0x2] =	wrdreg s2  }
0xa9: {  	[dreg:$0x3] =	wrdreg s4  }
0xaa: {  	[dreg:$0x4] =	wrdreg $0xC0  }
0xab: {  	_ =	task [dreg:s6], $0x5FFFF  }
0xac: {  	[dreg:$0x1] =	wrdreg $0xFFFFFFFF  }
0xad: {  	[dreg:$0x0] =	wrdreg $0x60  }
0xae: {  	[dreg:$0x2] =	wrdreg s24  }
0xaf: {  	[dreg:$0x3] =	wrdreg $0x41000  }
0xb0: {  	[dreg:$0x4] =	wrdreg $0x9  }
0xb1: {  	_ =	task.clear_ibuf [dreg:s6], $0x5FFFF;
	_ =	strace $0x9000004C  }
0xb2: {  	s29 =	simm.s32 $0x9;
	_ =	strace $0x8000004E  }
0xb3: {  	_ =	swait.ge [sflag:s29], $0x1  }
0xb4: {  	[sflag:s29] =	ssyncadd.s32 $0xFFFFFFFF  }
0xb5: {  	_ =	strace $0x9000004E  }
0xb6: {  	_ =	sfence  }
0xb7: {  	s30 =	sld [smem:$0x0];
	_ =	sdelay $0x2  }
0xb8: {  	s31 =	sshll.u32 s1, $0xD;
	s1 =	sshrl.u32 s1, $0x2  }
0xb9: {  	s3 =	sand.u32 $0x4000, s31;
	s1 =	sadd.s32 s1, s30  }
0xba: {  	s0 =	sor.u32 s3, s0;
	s1 =	sshll.u32 s1, $0x11  }
0xbb: {  	s0 =	sor.u32 s1, s0  }
0xbc: {  	s0 =	sadd.s32 $0x8F2B, s0  }
0xbd: {  	[sflag:s0] =	ssyncadd.remote.s32 $0x1  }
0xbe: {  	_ =	sfence.sel $0xFFFF  }
0xbf: {  	[dreg:$0x0] =	wrdreg $0xFFFFFFFF;
	(pc) =	sbr.abs _section_cstart, $3  }
0xc0: {  	[dreg:$0x1] =	wrdreg $0xFFFFFFFF  }
0xc1: {  	_ =	task.clear_ibuf [dreg:s6], $0x2FFFF;
	_ =	strace $0x9FFFFFFF  }
0xc2: {  	(tm) =	ssettm $0x7FFFFFFF  }
0xc3: {  	_ =	shalt  }
tec
execute0_lowered:
.L_overlay_start_1:
0x0: {  	(tag) =	ssettag $0x1  }
0x1: {  	s5 =	rddreg [dreg:$0x0]  }
0x2: {  	s2 =	rddreg [dreg:$0x1]  }
0x3: {  	s0 =	rddreg [dreg:$0x2];
	s1 =	stileid.u32  }
0x4: {  	s4 =	srdreg.scid;
	s3 =	simm.s32 $0x0;
	s12 =	simm.s32 $0x2  }
0x5: {  	s13 =	simm.s32 $0x80;
	s14 =	simm.s32 $0x100;
	s6 =	smul.u32 $0x9E0, s1  }
0x6: {  	s15 =	simm.s32 $0x1;
	s16 =	simm.s32 $0x0;
	s7 =	smul.u32 $0x13C00, s1  }
0x7: {  	s8 =	sand.u32 $0x1, s4;
	[smem:$0x7FF] =	sst s3;
	s11 =	smul.u32 $0x4F000, s1  }
0x8: {  	s4 =	sadd.s32 $0x33A00, s5;
	s31 =	sshll.u32 s1, $0x6;
	s9 =	smul.u32 $0x13C000, s8  }
0x9: {  	_ =	strace $0x8000004D;
	s28 =	ssub.s32 $0x2, s8;
	s8 =	smul.u32 $0x4F0, s8  }
0xa: {  	s10 =	sadd.s32 s6, s5;
	s26 =	sshrl.u32 s7, $0x3;
	s29 =	sshrl.u32 s28, $0x1  }
0xb: {  	s30 =	sshrl.u32 s11, $0x2;
	s7 =	sadd.s32 s7, s9;
	s6 =	sadd.s32 s26, s5  }
0xc: {  	s9 =	ssub.s32 s28, s29;
	s11 =	sadd.s32 s30, s2;
	s10 =	sadd.s32 s8, s10  }
0xd: {  	s7 =	sshrl.u32 s7, $0x3;
	s8 =	smax.u32 s9, $0x1;
	s9 =	sadd.s32 $0x2400, s10  }
0xe: {  	s10 =	sadd.s32 $0x83200, s10;
	s11 =	sshrl.u32 s11, $0x3;
	s7 =	sadd.s32 s7, s5  }
0xf: {  	s5 =	sadd.s32 $0xC200, s6;
	s6 =	sor.u32 $0x1C02, s31;
	s7 =	sadd.s32 $0x8D000, s7  }
.LBB2_1:
0x10: {  	[spmem:s11], [sflag:s6] =	dma.local [hbm:s5], $0x2780  }
0x11: {  	_ =	swait.ge [sflag:s12], $0x2780  }
0x12: {  	[sflag:s12] =	ssyncset.done $0x0  }
0x13: {  	[sflag:s12] =	ssyncadd.s32 $0xFFFFD880  }
0x14: {  	s17 =	sadd.s32 $0x0, s10;
	[bflag:$0x0] =	sbarrier.arrive $0xFFFF  }
0x15: {  	[tilespmem:s3], [sflag:$0x2] =	stream.linear.gather [hbm4b:s17+s3], $0x80, $0x38;
	[tilespmem:$0x17D00] =	vst v63  }
0x16: {  	_ =	swait.ge [sflag:s12], $0x80  }
0x17: {  	[sflag:s12] =	ssyncset.done $0x0  }
0x18: {  	s31 =	sadd.s32 $0x0, s9;
	[sflag:s12] =	ssyncadd.s32 $0xFFFFFF80  }
0x19: {  	[tilespmem:s13], [sflag:$0x2] =	stream.linear.gather [hbm4b:s31+s3], $0x80, $0x38;
	[tilespmem:$0x17D00] =	vst v63  }
0x1a: {  	_ =	swait.ge [sflag:s12], $0x80  }
0x1b: {  	[sflag:s12] =	ssyncset.done $0x0  }
0x1c: {  	[sflag:s12] =	ssyncadd.s32 $0xFFFFFF80  }
0x1d: {  	[tilespmem:s14], [sflag:$0x1] =	stream.indirect.gather [hbm4b:s4+s13], $0x80, s3, s13, $0xb8;
	[tilespmem:$0x17D00] =	vst v63  }
0x1e: {  	_ =	swait.ge [sflag:s15], $0x4000  }
0x1f: {  	[sflag:s15] =	ssyncset.done $0x0  }
0x20: {  	[sflag:s15] =	ssyncadd.s32 $0xFFFFC000  }
0x21: {  	[spmem:s2] =	stream.indirect.scatter.add.f32 [tilespmem:s14], [sflag:$0x2], $0x80, s13, s13, $0xb8;
	[tilespmem:$0x17D00] =	vst v63  }
0x22: {  	_ =	swait.ge [sflag:s12], $0x4000  }
0x23: {  	s18 =	simm.s32 $0x20;
	s17 =	simm.s32 $0x10;
	[sflag:s12] =	ssyncset.done $0x0  }
.LBB2_2:
0x24: {  	s19 =	sadd.s32 s17, s10  }
0x25: {  	[sflag:s12] =	ssyncadd.s32 $0xFFFFC000;
	s20 =	smov.u32 s18;
	s21 =	sadd.s32 $0x10, s18  }
0x26: {  	[tilespmem:s3], [sflag:$0x2] =	stream.linear.gather [hbm4b:s19+s3], $0x80, $0x38;
	[tilespmem:$0x17D00] =	vst v63  }
0x27: {  	p0 =	sne.s32 s18, $0x4E0;
	_ =	swait.ge [sflag:s12], $0x80  }
0x28: {  	[sflag:s12] =	ssyncset.done $0x0  }
0x29: {  	s18 =	sadd.s32 s17, s9;
	s17 =	smov.u32 s20;
	[sflag:s12] =	ssyncadd.s32 $0xFFFFFF80  }
0x2a: {  	[tilespmem:s13], [sflag:$0x2] =	stream.linear.gather [hbm4b:s18+s3], $0x80, $0x38;
	[tilespmem:$0x17D00] =	vst v63  }
0x2b: {  	_ =	swait.ge [sflag:s12], $0x80  }
0x2c: {  	[sflag:s12] =	ssyncset.done $0x0  }
0x2d: {  	[sflag:s12] =	ssyncadd.s32 $0xFFFFFF80  }
0x2e: {  	[tilespmem:s14], [sflag:$0x1] =	stream.indirect.gather [hbm4b:s4+s13], $0x80, s3, s13, $0xb8;
	[tilespmem:$0x17D00] =	vst v63  }
0x2f: {  	_ =	swait.ge [sflag:s15], $0x4000  }
.Ltmp0:
0x30: {  	[sflag:s15] =	ssyncset.done $0x0;
	(pc) =	sbr.rel @p0 .LBB2_2-.Ltmp0, $4  }
0x31: {  	[sflag:s15] =	ssyncadd.s32 $0xFFFFC000  }
0x32: {  	[spmem:s2] =	stream.indirect.scatter.add.f32 [tilespmem:s14], [sflag:$0x2], $0x80, s13, s13, $0xb8;
	[tilespmem:$0x17D00] =	vst v63  }
0x33: {  	_ =	swait.ge [sflag:s12], $0x4000  }
0x34: {  	s18 =	smov.u32 s21;
	[sflag:s12] =	ssyncset.done $0x0  }
0x35: {  	s18 =	sadd.s32 s17, s10;
	[sflag:s12] =	ssyncadd.s32 $0xFFFFC000  }
0x36: {  	[tilespmem:s3], [sflag:$0x2] =	stream.linear.gather [hbm4b:s18+s3], $0x80, $0x38;
	[tilespmem:$0x17D00] =	vst v63  }
0x37: {  	_ =	swait.ge [sflag:s12], $0x80  }
0x38: {  	[sflag:s12] =	ssyncset.done $0x0  }
0x39: {  	s31 =	sadd.s32 s17, s9;
	[sflag:s12] =	ssyncadd.s32 $0xFFFFFF80  }
0x3a: {  	[tilespmem:s13], [sflag:$0x2] =	stream.linear.gather [hbm4b:s31+s3], $0x80, $0x38;
	[tilespmem:$0x17D00] =	vst v63  }
0x3b: {  	_ =	swait.ge [sflag:s12], $0x80  }
0x3c: {  	[sflag:s12] =	ssyncset.done $0x0  }
0x3d: {  	[sflag:s12] =	ssyncadd.s32 $0xFFFFFF80  }
0x3e: {  	[tilespmem:s14], [sflag:$0x1] =	stream.indirect.gather [hbm4b:s4+s13], $0x80, s3, s13, $0xb8;
	[tilespmem:$0x17D00] =	vst v63  }
0x3f: {  	_ =	swait.ge [sflag:s15], $0x4000  }
0x40: {  	[sflag:s15] =	ssyncset.done $0x0  }
0x41: {  	[sflag:s15] =	ssyncadd.s32 $0xFFFFC000  }
0x42: {  	[spmem:s2] =	stream.indirect.scatter.add.f32 [tilespmem:s14], [sflag:$0x2], $0x80, s13, s13, $0xb8;
	[tilespmem:$0x17D00] =	vst v63  }
0x43: {  	_ =	swait.ge [sflag:s12], $0x4000  }
0x44: {  	s16 =	sadd.s32 $0x1, s16;
	[sflag:s12] =	ssyncset.done $0x0  }
0x45: {  	p0 =	sne.s32 s16, s8;
	[sflag:s12] =	ssyncadd.s32 $0xFFFFC000  }
.Ltmp1:
0x46: {  	[bflag:$0x0] =	sbarrier.arrive $0xFFFF;
	(pc) =	sbr.rel @p0 .LBB2_1-.Ltmp1, $4  }
0x47: {  	[hbm:s7], [sflag:s6] =	dma.local [spmem:s11], $0x2780  }
0x48: {  	_ =	swait.ge [sflag:s12], $0x2780  }
0x49: {  	[sflag:s12] =	ssyncset.done $0x0  }
0x4a: {  	[sflag:s12] =	ssyncadd.s32 $0xFFFFD880  }
0x4b: {  	_ =	sfence.sel $0x180000  }
0x4c: {  	[bflag:$0x0] =	sbarrier.arrive $0xFFFF  }
0x4d: {  	p0 =	sne.s32 s1, $0x0;
	_ =	strace $0x9000004D  }
0x4e: {  	s0 =	sadd.s32 @!p0 $0x100000, s0;
	[bflag:$0x2] =	sbarrier.arrive $0xFFFF  }
0x4f: {  	[sflag:s0] =	ssyncadd.tile.s32 @!p0 $0x1;
	_ =	shalt  }
.Lfunc_end2:
_tile_overlayer_lowered:
.L_overlay_start_2:
0x50: {  	(tag) =	ssettag $0x2  }
0x51: {  	s0 =	rddreg [dreg:$0x0];
	s2 =	stileid.u32  }
0x52: {  	s1 =	rddreg [dreg:$0x1];
	p0 =	sne.s32 s2, $0x0  }
0x53: {  	s3 =	rddreg [dreg:$0x2];
	[bflag:$0x3] =	sbarrier.arrive $0xFFFF;
	s2 =	simm.s32 @!p0 $0x1C02  }
0x54: {  	[timem:s3], [sflag:s2] =	dma.local @!p0 [hbm:s0], s1  }
0x55: {  	s0 =	simm.s32 @!p0 $0x2  }
0x56: {  	_ =	swait.ge @!p0 [sflag:s0], s1  }
0x57: {  	s1 =	ssub.s32 @!p0 $0x0, s1;
	[sflag:s0] =	ssyncset.done @!p0 $0x0  }
0x58: {  	[sflag:s0] =	ssyncadd.s32 @!p0 s1  }
0x59: {  	[bflag:$0x3] =	sbarrier.arrive $0xFFFF  }
0x5a: {  	_ =	shalt  }

// kernel: kernel.8.cloned.1.call-start
scs
__scs_entry_jumppad:
0x0: {  	(pc) =	sbr.rel $0x88, $3  }
0x1: {  	(tag) =	ssettag $0x0;
	lr =	simm.s32 $0x1  }
0x2: {  	[smem:$0x3F96] =	sst lr;
	_ =	strace $0xD0000000  }
0x3: {  	_ = 	snop  }
0x4: {  	_ = 	snop  }
0x5: {  	_ = 	snop  }
0x6: {  	_ = 	snop  }
0x7: {  	_ = 	snop  }
__scs_overlays_trampoline_lowered:
0x8: {  	[smem:$0x3FA5] =	sst s0  }
0x9: {  	[smem:$0x3FA6] =	sst s1  }
0xa: {  	[smem:$0x3FA7] =	sst s2  }
0xb: {  	[smem:$0x3FA8] =	sst s3  }
0xc: {  	[smem:$0x3FA9] =	sst s4  }
0xd: {  	[smem:$0x3FAA] =	sst s5  }
0xe: {  	[smem:$0x3FAB] =	sst s6  }
0xf: {  	[smem:$0x3FAC] =	sst s7  }
0x10: {  	[smem:$0x3FAD] =	sst s8  }
0x11: {  	[smem:$0x3FAE] =	sst s9;
	s0 =	simm.s32 @!p0 $0x0  }
0x12: {  	s1 =	sld [smem:$0x3F94];
	s0 =	simm.s32 @p0 $0x1  }
0x13: {  	[smem:$0x3FAF] =	sst s0;
	s0 =	simm.s32 @!p1 $0x0  }
0x14: {  	s2 =	sld [smem:$0x3F93];
	s0 =	simm.s32 @p1 $0x1  }
0x15: {  	[smem:$0x3FB0] =	sst s0;
	s0 =	simm.s32 @!p2 $0x0  }
0x16: {  	s3 =	sld [smem:$0x3FDB];
	s0 =	simm.s32 @p2 $0x1  }
0x17: {  	s4 =	simm.s32 $0x1BF5;
	[smem:$0x3FB2] =	sst s0  }
0x18: {  	s0 =	sld [smem:$0x3F95];
	_ =	swait.ge [sflag:s4], $0x0  }
0x19: {  	s7 =	sld [smem:$0x3F96]  }
0x1a: {  	s8 =	sadd.s32 $0xFFFFE003, lr  }
0x1b: {  	s9 =	sadd.s32 $0xFFFFFEF7, lr;
	s5 =	simm.s32 $0xFFFFFFFF;
	p2 =	slt.u32 s8, $0xFFFFF086  }
0x1c: {  	p1 =	slt.u32 s9, $0xF7A;
	s5 =	simm.s32 @!p2 $0x0  }
0x1d: {  	s5 =	simm.s32 @p1 $0x1;
	p0 =	seq.s32 s7, s2  }
0x1e: {  	s7 =	smul.u32 @!p0 $0xF7A, s2;
	p2 =	seq.s32 @!p0 s5, $0x0  }
0x1f: {  	s9 =	smul.u32 $0xF7A, s1;
	s8 =	simm.s32 @!p0 $0x1BF5;
	p2 =	por !p2, p0  }
0x20: {  	[sflag:s8] =	ssyncset.s32 @!p0 $0xFFFFF086;
	s6 =	sadd.s32 @!p0 s3, s7;
	s7 =	simm.s32 @!p0 $0x108  }
0x21: {  	s3 =	sadd.s32 s3, s9;
	s6 =	sadd.s32 @!p0 $0x88, s6;
	s7 =	simm.s32 @p2 $0x1082  }
0x22: {  	[simem:s7], [sflag:s8] =	dma.local @!p0 [hbm:s6], $0xF7A  }
0x23: {  	s9 =	sor.u32 $0xD0000000, s2;
	s6 =	simm.s32 $0x108;
	_ =	swait.ge @!p0 [sflag:s8], $0x0  }
0x24: {  	s3 =	sadd.s32 $0x88, s3;
	s6 =	simm.s32 @!p1 $0x1082;
	[sflag:s4] =	ssyncset.s32 $0xFFFFF086  }
0x25: {  	[simem:s6], [sflag:s4] =	dma.local [hbm:s3], $0xF7A  }
0x26: {  	[smem:$0x3F96] =	sst s1;
	(tag) =	ssettag s2;
	_ =	strace s9  }
0x27: {  	s1 =	sld [smem:$0x3FA6]  }
0x28: {  	s2 =	sld [smem:$0x3FA7]  }
0x29: {  	s4 =	sld [smem:$0x3FA9]  }
0x2a: {  	p0 =	seq.s32 s5, $0x0;
	s5 =	sld [smem:$0x3FAA]  }
0x2b: {  	s6 =	sld [smem:$0x3FAB]  }
0x2c: {  	s7 =	sld [smem:$0x3FAC]  }
0x2d: {  	s3 =	simm.s32 $0x108;
	s8 =	sld [smem:$0x3FAD]  }
0x2e: {  	s3 =	simm.s32 @!p0 $0x1082;
	s9 =	sld [smem:$0x3FAE]  }
0x2f: {  	lr =	sadd.s32 s0, s3;
	s0 =	sld [smem:$0x3FA5]  }
0x30: {  	s3 =	sld [smem:$0x3FA8]  }
0x31: {  	[smem:$0x3FB1] =	sst s10  }
0x32: {  	s10 =	sld [smem:$0x3FAF];
	_ =	sdelay $0x3  }
0x33: {  	p0 =	seq.s32 s10, $0x1;
	s10 =	sld [smem:$0x3FB1];
	_ =	sdelay $0x3  }
0x34: {  	[smem:$0x3FB1] =	sst s10  }
0x35: {  	s10 =	sld [smem:$0x3FB0];
	_ =	sdelay $0x3  }
0x36: {  	p1 =	seq.s32 s10, $0x1;
	s10 =	sld [smem:$0x3FB1];
	_ =	sdelay $0x3  }
0x37: {  	[smem:$0x3FB1] =	sst s10  }
0x38: {  	s10 =	sld [smem:$0x3FB2]  }
0x39: {  	_ = 	snop;
	(pc) =	sbr.ind lr, $3  }
0x3a: {  	_ = 	snop  }
0x3b: {  	_ = 	snop  }
0x3c: {  	p2 =	seq.s32 s10, $0x1;
	s10 =	sld [smem:$0x3FB1]  }
0x3d: {  	_ =	shalt  }
0x3e: {  	_ =	shalt  }
0x3f: {  	_ =	shalt  }
0x40: {  	_ =	shalt  }
0x41: {  	_ =	shalt  }
0x42: {  	_ =	shalt  }
0x43: {  	_ =	shalt  }
0x44: {  	_ =	shalt  }
0x45: {  	_ =	shalt  }
0x46: {  	_ =	shalt  }
0x47: {  	_ =	shalt  }
0x48: {  	_ =	shalt  }
0x49: {  	_ =	shalt  }
0x4a: {  	_ =	shalt  }
0x4b: {  	_ =	shalt  }
0x4c: {  	_ =	shalt  }
0x4d: {  	_ =	shalt  }
0x4e: {  	_ =	shalt  }
0x4f: {  	_ =	shalt  }
0x50: {  	_ =	shalt  }
0x51: {  	_ =	shalt  }
0x52: {  	_ =	shalt  }
0x53: {  	_ =	shalt  }
0x54: {  	_ =	shalt  }
0x55: {  	_ =	shalt  }
0x56: {  	_ =	shalt  }
0x57: {  	_ =	shalt  }
0x58: {  	_ =	shalt  }
0x59: {  	_ =	shalt  }
0x5a: {  	_ =	shalt  }
0x5b: {  	_ =	shalt  }
0x5c: {  	_ =	shalt  }
0x5d: {  	_ =	shalt  }
0x5e: {  	_ =	shalt  }
0x5f: {  	_ =	shalt  }
0x60: {  	_ =	shalt  }
0x61: {  	_ =	shalt  }
0x62: {  	_ =	shalt  }
0x63: {  	_ =	shalt  }
0x64: {  	_ =	shalt  }
0x65: {  	_ =	shalt  }
0x66: {  	_ =	shalt  }
0x67: {  	_ =	shalt  }
0x68: {  	_ =	shalt  }
0x69: {  	_ =	shalt  }
0x6a: {  	_ =	shalt  }
0x6b: {  	_ =	shalt  }
0x6c: {  	_ =	shalt  }
0x6d: {  	_ =	shalt  }
0x6e: {  	_ =	shalt  }
0x6f: {  	_ =	shalt  }
0x70: {  	_ =	shalt  }
0x71: {  	_ =	shalt  }
0x72: {  	_ =	shalt  }
0x73: {  	_ =	shalt  }
0x74: {  	_ =	shalt  }
0x75: {  	_ =	shalt  }
0x76: {  	_ =	shalt  }
0x77: {  	_ =	shalt  }
0x78: {  	_ =	shalt  }
0x79: {  	_ =	shalt  }
0x7a: {  	_ =	shalt  }
0x7b: {  	_ =	shalt  }
0x7c: {  	_ =	shalt  }
0x7d: {  	_ =	shalt  }
0x7e: {  	_ =	shalt  }
0x7f: {  	_ =	shalt  }
0x80: {  	_ =	shalt  }
0x81: {  	_ =	shalt  }
0x82: {  	_ =	shalt  }
0x83: {  	_ =	shalt  }
0x84: {  	_ =	shalt  }
0x85: {  	_ =	shalt  }
0x86: {  	_ =	shalt  }
0x87: {  	_ =	shalt  }
.Lfunc_end0:
.L_simem_size_0:
called_computation_lowered:
.L_overlay_start_0:
0x88: {  	s2 =	sld [smem:$0x3FD9]  }
0x89: {  	s3 =	sld [smem:$0x3FFE];
	_ =	sdelay $0x1  }
0x8a: {  	s1 =	srdreg.scid  }
0x8b: {  	s0 =	sand.u32 $0x1, s1  }
0x8c: {  	s16 =	sshll.u32 s0, $0xA;
	s2 =	sadd.s32 s3, s2  }
0x8d: {  	s2 =	sadd.s32 s2, s16  }
0x8e: {  	[smem:$0x3FBD] =	sst s2  }
0x8f: {  	_ = 	snop  }
0x90: {  	(tm) =	ssettm $0x1  }
0x91: {  	s17 =	sld [smem:$0x3FFB];
	_ =	sdelay $0x3  }
0x92: {  	_ =	strace s17  }
0x93: {  	s2 =	sld [smem:$0x3FFC];
	_ =	sdelay $0x3  }
0x94: {  	_ =	strace s2  }
0x95: {  	s2 =	sld [smem:$0x3FFD];
	_ =	sdelay $0x3  }
0x96: {  	_ =	strace s2  }
0x97: {  	_ =	strace $0x8FFFFFFF  }
0x98: {  	s18 =	sld [smem:$0x3FDB];
	_ =	sdelay $0x1  }
0x99: {  	s19 =	simm.s32 $_scs_section_size  }
0x9a: {  	s4 =	simm.s32 $_size__tile_overlayer_lowered;
	s5 =	simm.s32 $_tile_overlayer_lowered  }
0x9b: {  	s22 =	simm.s32 $0x1BFF;
	s21 =	sshll.u32 s5, $0x1;
	s2 =	sadd.s32 s19, s18  }
0x9c: {  	s6 =	simm.s32 $0x0;
	s20 =	sshll.u32 s4, $0x1;
	s4 =	sadd.s32 s21, s2  }
0x9d: {  	[timem:s6], [sflag:s22] =	dma.local [hbm:s4], s20  }
0x9e: {  	_ =	swait.ge [sflag:s22], s20  }
0x9f: {  	s3 =	ssub.s32 $0x0, s20;
	[sflag:s22] =	ssyncset.done $0x0  }
0xa0: {  	[sflag:s22] =	ssyncadd.s32 s3;
	_ =	sdelay $0x1  }
0xa1: {  	s23 =	simm.s32 $0x1B8B  }
0xa2: {  	_ =	swait.ge [sflag:s23], $0x1  }
0xa3: {  	[sflag:s23] =	ssyncset.done $0x0  }
0xa4: {  	s25 =	simm.s32 $0x1B8E;
	s24 =	sld [smem:$0x3FFE];
	[sflag:s23] =	ssyncadd.s32 $0xFFFFFFFF  }
0xa5: {  	s26 =	simm.s32 $execute0_lowered;
	[smem:$0x3FD2] =	sst s25  }
0xa6: {  	s4 =	sshll.u32 s26, $0x1;
	_ =	strace $0x80000046;
	[dreg:$0x1] =	wrdreg $0xFFFFFFFF  }
0xa7: {  	s28 =	simm.s32 $_size_execute0_lowered;
	s2 =	sadd.s32 s2, s4;
	[dreg:$0x0] =	wrdreg $0x0  }
0xa8: {  	s4 =	sshll.u32 s28, $0x1;
	[dreg:$0x2] =	wrdreg s2  }
0xa9: {  	[dreg:$0x3] =	wrdreg s4  }
0xaa: {  	[dreg:$0x4] =	wrdreg $0xC0  }
0xab: {  	_ =	task [dreg:s6], $0x5FFFF  }
0xac: {  	[dreg:$0x1] =	wrdreg $0xFFFFFFFF  }
0xad: {  	[dreg:$0x0] =	wrdreg $0x60  }
0xae: {  	[dreg:$0x2] =	wrdreg s24  }
0xaf: {  	[dreg:$0x3] =	wrdreg $0x40800  }
0xb0: {  	[dreg:$0x4] =	wrdreg $0x9  }
0xb1: {  	_ =	task.clear_ibuf [dreg:s6], $0x5FFFF;
	_ =	strace $0x90000046  }
0xb2: {  	s29 =	simm.s32 $0x9;
	_ =	strace $0x80000048  }
0xb3: {  	_ =	swait.ge [sflag:s29], $0x1  }
0xb4: {  	[sflag:s29] =	ssyncadd.s32 $0xFFFFFFFF  }
0xb5: {  	_ =	strace $0x90000048  }
0xb6: {  	_ =	sfence  }
0xb7: {  	s30 =	sld [smem:$0x0];
	_ =	sdelay $0x2  }
0xb8: {  	s31 =	sshll.u32 s1, $0xD;
	s1 =	sshrl.u32 s1, $0x2  }
0xb9: {  	s3 =	sand.u32 $0x4000, s31;
	s1 =	sadd.s32 s1, s30  }
0xba: {  	s0 =	sor.u32 s3, s0;
	s1 =	sshll.u32 s1, $0x11  }
0xbb: {  	s0 =	sor.u32 s1, s0  }
0xbc: {  	s0 =	sadd.s32 $0x8F2B, s0  }
0xbd: {  	[sflag:s0] =	ssyncadd.remote.s32 $0x1  }
0xbe: {  	_ =	sfence.sel $0xFFFF  }
0xbf: {  	[dreg:$0x0] =	wrdreg $0xFFFFFFFF;
	(pc) =	sbr.abs _section_cstart, $3  }
0xc0: {  	[dreg:$0x1] =	wrdreg $0xFFFFFFFF  }
0xc1: {  	_ =	task.clear_ibuf [dreg:s6], $0x2FFFF;
	_ =	strace $0x9FFFFFFF  }
0xc2: {  	(tm) =	ssettm $0x7FFFFFFF  }
0xc3: {  	_ =	shalt  }
tec
execute0_lowered:
.L_overlay_start_1:
0x0: {  	(tag) =	ssettag $0x1  }
0x1: {  	s5 =	rddreg [dreg:$0x0]  }
0x2: {  	s2 =	rddreg [dreg:$0x1]  }
0x3: {  	s0 =	rddreg [dreg:$0x2];
	s1 =	stileid.u32  }
0x4: {  	s3 =	simm.s32 $0x0;
	s4 =	srdreg.scid;
	s6 =	smul.u32 $0x13C00, s1  }
0x5: {  	s13 =	simm.s32 $0x0;
	[smem:$0x7FF] =	sst s3;
	s7 =	smul.u32 $0x9E0, s1  }
0x6: {  	s8 =	sand.u32 $0x1, s4;
	s4 =	sadd.s32 $0x33A00, s5;
	s11 =	smul.u32 $0x4F000, s1  }
0x7: {  	s31 =	sshll.u32 s1, $0x6;
	_ =	strace $0x80000047;
	s10 =	smul.u32 $0x13C000, s8  }
0x8: {  	s28 =	ssub.s32 $0x2, s8;
	s8 =	smul.u32 $0x4F0, s8;
	s9 =	sshrl.u32 s6, $0x3  }
0x9: {  	s7 =	sadd.s32 s7, s5;
	s12 =	sshrl.u32 s28, $0x1;
	s29 =	sshrl.u32 s11, $0x2  }
0xa: {  	s11 =	sor.u32 $0x1C01, s31;
	s9 =	sadd.s32 s9, s5;
	s6 =	sadd.s32 s6, s10  }
0xb: {  	s10 =	ssub.s32 s28, s12;
	s30 =	sadd.s32 s29, s2;
	s8 =	sadd.s32 s8, s7  }
0xc: {  	s6 =	sshrl.u32 s6, $0x3;
	s7 =	smax.u32 s10, $0x1;
	s8 =	sadd.s32 $0x2400, s8  }
0xd: {  	s10 =	simm.s32 $0x1;
	s12 =	sshrl.u32 s30, $0x3;
	s6 =	sadd.s32 s6, s5  }
0xe: {  	s5 =	sadd.s32 $0xC200, s9;
	s9 =	simm.s32 $0x80;
	s6 =	sadd.s32 $0x34200, s6  }
.LBB2_1:
0xf: {  	[tilespmem:s9], [sflag:$0x1] =	stream.linear.gather [hbm4b:s4+s3], $0x4000, $0x38;
	[tilespmem:$0x17C80] =	vst v63  }
0x10: {  	_ =	swait.ge [sflag:s10], $0x4000  }
0x11: {  	[sflag:s10] =	ssyncset.done $0x0  }
0x12: {  	[sflag:s10] =	ssyncadd.s32 $0xFFFFC000  }
0x13: {  	[spmem:s12], [sflag:s11] =	dma.local [hbm:s5], $0x2780  }
0x14: {  	_ =	swait.ge [sflag:s10], $0x2780  }
0x15: {  	[sflag:s10] =	ssyncset.done $0x0  }
0x16: {  	[sflag:s10] =	ssyncadd.s32 $0xFFFFD880  }
0x17: {  	s14 =	sadd.s32 $0x0, s8;
	[bflag:$0x0] =	sbarrier.arrive $0xFFFF  }
0x18: {  	[tilespmem:s3], [sflag:$0x1] =	stream.linear.gather [hbm4b:s14+s3], $0x80, $0x38;
	[tilespmem:$0x17C80] =	vst v63  }
0x19: {  	_ =	swait.ge [sflag:s10], $0x80  }
0x1a: {  	[sflag:s10] =	ssyncset.done $0x0  }
0x1b: {  	[sflag:s10] =	ssyncadd.s32 $0xFFFFFF80  }
0x1c: {  	[spmem:s2] =	stream.indirect.scatter.add.f32 [tilespmem:s9], [sflag:$0x1], $0x80, s3, s9, $0xb8;
	[tilespmem:$0x17C80] =	vst v63  }
0x1d: {  	_ =	swait.ge [sflag:s10], $0x4000  }
0x1e: {  	s15 =	simm.s32 $0x20;
	s14 =	simm.s32 $0x10;
	[sflag:s10] =	ssyncset.done $0x0  }
.LBB2_2:
0x1f: {  	s16 =	sadd.s32 s14, s8  }
0x20: {  	[sflag:s10] =	ssyncadd.s32 $0xFFFFC000;
	s14 =	smov.u32 s15;
	s17 =	sadd.s32 $0x10, s15  }
0x21: {  	[tilespmem:s3], [sflag:$0x1] =	stream.linear.gather [hbm4b:s16+s3], $0x80, $0x38;
	[tilespmem:$0x17C80] =	vst v63  }
0x22: {  	p0 =	sne.s32 s15, $0x4E0;
	_ =	swait.ge [sflag:s10], $0x80  }
.Ltmp0:
0x23: {  	[sflag:s10] =	ssyncset.done $0x0;
	(pc) =	sbr.rel @p0 .LBB2_2-.Ltmp0, $4  }
0x24: {  	[sflag:s10] =	ssyncadd.s32 $0xFFFFFF80  }
0x25: {  	[spmem:s2] =	stream.indirect.scatter.add.f32 [tilespmem:s9], [sflag:$0x1], $0x80, s3, s9, $0xb8;
	[tilespmem:$0x17C80] =	vst v63  }
0x26: {  	_ =	swait.ge [sflag:s10], $0x4000  }
0x27: {  	s15 =	smov.u32 s17;
	[sflag:s10] =	ssyncset.done $0x0  }
0x28: {  	s14 =	sadd.s32 s14, s8;
	[sflag:s10] =	ssyncadd.s32 $0xFFFFC000  }
0x29: {  	[tilespmem:s3], [sflag:$0x1] =	stream.linear.gather [hbm4b:s14+s3], $0x80, $0x38;
	[tilespmem:$0x17C80] =	vst v63  }
0x2a: {  	_ =	swait.ge [sflag:s10], $0x80  }
0x2b: {  	[sflag:s10] =	ssyncset.done $0x0  }
0x2c: {  	[sflag:s10] =	ssyncadd.s32 $0xFFFFFF80  }
0x2d: {  	[spmem:s2] =	stream.indirect.scatter.add.f32 [tilespmem:s9], [sflag:$0x1], $0x80, s3, s9, $0xb8;
	[tilespmem:$0x17C80] =	vst v63  }
0x2e: {  	_ =	swait.ge [sflag:s10], $0x4000  }
0x2f: {  	s13 =	sadd.s32 $0x1, s13;
	[sflag:s10] =	ssyncset.done $0x0  }
0x30: {  	p0 =	sne.s32 s13, s7;
	[sflag:s10] =	ssyncadd.s32 $0xFFFFC000  }
.Ltmp1:
0x31: {  	[bflag:$0x0] =	sbarrier.arrive $0xFFFF;
	(pc) =	sbr.rel @p0 .LBB2_1-.Ltmp1, $4  }
0x32: {  	[hbm:s6], [sflag:s11] =	dma.local [spmem:s12], $0x2780  }
0x33: {  	_ =	swait.ge [sflag:s10], $0x2780  }
0x34: {  	[sflag:s10] =	ssyncset.done $0x0  }
0x35: {  	[sflag:s10] =	ssyncadd.s32 $0xFFFFD880  }
0x36: {  	_ =	sfence.sel $0x180000  }
0x37: {  	[bflag:$0x0] =	sbarrier.arrive $0xFFFF  }
0x38: {  	p0 =	sne.s32 s1, $0x0;
	_ =	strace $0x90000047  }
0x39: {  	s0 =	sadd.s32 @!p0 $0x100000, s0;
	[bflag:$0x2] =	sbarrier.arrive $0xFFFF  }
0x3a: {  	[sflag:s0] =	ssyncadd.tile.s32 @!p0 $0x1;
	_ =	shalt  }
.Lfunc_end2:
_tile_overlayer_lowered:
.L_overlay_start_2:
0x3b: {  	(tag) =	ssettag $0x2  }
0x3c: {  	s0 =	rddreg [dreg:$0x0];
	s2 =	stileid.u32  }
0x3d: {  	s1 =	rddreg [dreg:$0x1];
	p0 =	sne.s32 s2, $0x0  }
0x3e: {  	s3 =	rddreg [dreg:$0x2];
	[bflag:$0x3] =	sbarrier.arrive $0xFFFF;
	s2 =	simm.s32 @!p0 $0x1C01  }
0x3f: {  	[timem:s3], [sflag:s2] =	dma.local @!p0 [hbm:s0], s1  }
0x40: {  	s0 =	simm.s32 @!p0 $0x1  }
0x41: {  	_ =	swait.ge @!p0 [sflag:s0], s1  }
0x42: {  	s1 =	ssub.s32 @!p0 $0x0, s1;
	[sflag:s0] =	ssyncset.done @!p0 $0x0  }
0x43: {  	[sflag:s0] =	ssyncadd.s32 @!p0 s1  }
0x44: {  	[bflag:$0x3] =	sbarrier.arrive $0xFFFF  }
0x45: {  	_ =	shalt  }

</sc_bundles>
